<compile_context>
chip_gen: v7x
topology: tpu7x:2x2x1
jax: 0.10.2.dev20260603
libtpu: 0.0.44.dev20260713+nightly
codegen_flags: <defaults>
</compile_context>

<pallas_src>
import functools

import jax
import jax.numpy as jnp
from jax import lax
from jax.experimental import pallas as pl
from jax.experimental.pallas import tpu as pltpu
from jax.experimental.pallas import tpu_sc as plsc

BATCH = 16384
SEQ = 200
HIDDEN = 128
VOCAB = 100
NTOK = BATCH * SEQ

NC = 2
NS = 16
NW = NC * NS
PER_W = NTOK // NW

IDXW = 128
CHUNK = 128
NCHUNK = PER_W // CHUNK
NSLOT = 4
BLK = 400
NBLK = NCHUNK // BLK

MASK_BLOCK = 1024

_mesh = plsc.VectorSubcoreMesh(core_axis_name="c", subcore_axis_name="s")


def _mask_body(o_ref):
    o_ref[...] = jnp.ones_like(o_ref)


_mask_tc = pl.pallas_call(
    _mask_body,
    out_shape=jax.ShapeDtypeStruct((BATCH, SEQ), jnp.float32),
    grid=(BATCH // MASK_BLOCK,),
    out_specs=pl.BlockSpec((MASK_BLOCK, SEQ), lambda i: (i, 0)),
)


@functools.partial(
    pl.kernel,
    out_type=jax.ShapeDtypeStruct((NTOK, HIDDEN), jnp.float32),
    mesh=_mesh,
    scratch_types=[
        pltpu.VMEM((BLK, 1, IDXW), jnp.int32),
        pltpu.VMEM((NSLOT, CHUNK, HIDDEN), jnp.float32),
        pltpu.VMEM_SHARED((VOCAB, HIDDEN), jnp.float32),
        pltpu.SemaphoreType.DMA,
        pltpu.SemaphoreType.DMA,
        pltpu.SemaphoreType.DMA,
        pltpu.SemaphoreType.DMA,
        pltpu.SemaphoreType.DMA,
        pltpu.SemaphoreType.DMA,
        pltpu.SemaphoreType.DMA,
        pltpu.SemaphoreType.DMA,
    ],
)
def _embed_sc(tok_hbm, table_hbm, out_hbm,
              idx_blk, rows_v, table_sp,
              gsem0, gsem1, gsem2, gsem3, ssem0, ssem1, ssem2, ssem3):
    gsems = (gsem0, gsem1, gsem2, gsem3)
    ssems = (ssem0, ssem1, ssem2, ssem3)
    sid = lax.axis_index("s")
    wid = sid * NC + lax.axis_index("c")
    base = wid * PER_W
    base_chunks = wid * NCHUNK

    @pl.when(sid == 0)
    def _():
        pltpu.sync_copy(table_hbm, table_sp)

    plsc.subcore_barrier()

    def fire_gather(kk, s):
        pltpu.async_copy(table_sp.at[idx_blk.at[kk].at[0]], rows_v.at[s], gsems[s])

    def wait_gather(kk, s):
        pltpu.make_async_copy(
            table_sp.at[idx_blk.at[kk].at[0]], rows_v.at[s], gsems[s]
        ).wait()

    def fire_store(c, s):
        pltpu.async_copy(rows_v.at[s], out_hbm.at[pl.ds(base + c * CHUNK, CHUNK)],
                         ssems[s])

    def wait_store(c, s):
        pltpu.make_async_copy(
            rows_v.at[s], out_hbm.at[pl.ds(base + c * CHUNK, CHUNK)], ssems[s]
        ).wait()

    def phase(c, kk, s, do_wait, do_fire):
        if do_wait:
            wait_store(c - 3, (s + 1) % NSLOT)
        if do_fire:
            fire_gather(kk + 1, (s + 1) % NSLOT)
        wait_gather(kk, s)
        fire_store(c, s)

    def block(c0, first_block):
        pltpu.sync_copy(tok_hbm.at[pl.ds(base_chunks + c0, BLK)], idx_blk)
        fire_gather(0, 0)

        if first_block:
            for k in range(NSLOT):
                phase(c0 + k, k, k, do_wait=(k == 3), do_fire=True)

        def quad(q, carry):
            cq = c0 + NSLOT * q
            for k in range(NSLOT):
                phase(cq + k, NSLOT * q + k, k, do_wait=True, do_fire=True)
            return carry

        lax.fori_loop(1 if first_block else 0, BLK // NSLOT - 1, quad, 0)

        cq = c0 + BLK - NSLOT
        for k in range(NSLOT):
            phase(cq + k, BLK - NSLOT + k, k, do_wait=True, do_fire=(k < 3))

    block(0, True)

    def block_body(b, carry):
        block(b * BLK, False)
        return carry

    lax.fori_loop(1, NBLK, block_body, 0)

    for k in range(1, NSLOT):
        wait_store(NCHUNK - NSLOT + k, k)


def kernel(tokens, table):
    out_flat = _embed_sc(tokens.reshape(NTOK // CHUNK, 1, IDXW), table)
    return (out_flat.reshape(BATCH, SEQ, HIDDEN), _mask_tc())

# --- scband reference (transcript-rebuilt; emitter-appended) ---
"""Pipeline reference for scband-fake-text-encoder-83124797047472 (READ-ONLY COPY).

The authoritative reference and input builder live on the scoring server;
editing this copy changes nothing except your own understanding.
"""

import jax, jax.numpy as jnp
import numpy as np

VOCAB = 100
HIDDEN_DIM = 128
BATCH = 16384
SEQ = 200

def setup_inputs(seed: int = 0) -> dict:
    key = jax.random.key(seed)
    k_tok, k_tab = jax.random.split(key)
    tokens = jax.random.randint(k_tok, (BATCH, SEQ), 0, VOCAB, dtype=jnp.int32)
    table = jax.random.normal(k_tab, (VOCAB, HIDDEN_DIM), dtype=jnp.float32) * 0.02
    return {"tokens": tokens, "table": table}

def reference(tokens, table):
    # Faithful translation of FakeTextEncoder.encode:
    #   out = self.embed(tokens)  -> gather rows from embedding table
    #   mask = torch.ones(out.shape[0], out.shape[1])
    out = jnp.take(table, tokens, axis=0)
    mask = jnp.ones((out.shape[0], out.shape[1]), dtype=jnp.float32)
    return (out, mask)

if __name__ == "__main__":
    import jax
    _d = setup_inputs()
    print(jax.jit(kernel)(*tuple(_d.values())))

</pallas_src>

<mosaic_0001>
#map = affine_map<(d0, d1) -> (0, 0, 0)>
#map1 = affine_map<(d0, d1) -> (0, 0)>
module attributes {stable_mosaic.version = 14 : i64} {
  func.func @_embed_sc(%arg0: i32, %arg1: i32, %arg2: memref<25600x1x128xi32, #tpu.memory_space<hbm>>, %arg3: memref<100x128xf32, #tpu.memory_space<hbm>>, %arg4: memref<3276800x128xf32, #tpu.memory_space<hbm>>, %arg5: memref<400x1x128xi32, #tpu.memory_space<vmem>>, %arg6: memref<4x128x128xf32, #tpu.memory_space<vmem>>, %arg7: memref<100x128xf32, #tpu.memory_space<vmem_shared>>, %arg8: memref<!tpu.dma_semaphore, #tpu.memory_space<semaphore_mem>>, %arg9: memref<!tpu.dma_semaphore, #tpu.memory_space<semaphore_mem>>, %arg10: memref<!tpu.dma_semaphore, #tpu.memory_space<semaphore_mem>>, %arg11: memref<!tpu.dma_semaphore, #tpu.memory_space<semaphore_mem>>, %arg12: memref<!tpu.dma_semaphore, #tpu.memory_space<semaphore_mem>>, %arg13: memref<!tpu.dma_semaphore, #tpu.memory_space<semaphore_mem>>, %arg14: memref<!tpu.dma_semaphore, #tpu.memory_space<semaphore_mem>>, %arg15: memref<!tpu.dma_semaphore, #tpu.memory_space<semaphore_mem>>) attributes {dimension_semantics = [#tpu.dimension_semantics<core_parallel>, #tpu.dimension_semantics<subcore_parallel>], iteration_bounds = array<i64: 2, 16>, scalar_prefetch = 0 : i64, scratch_operands = 11 : i64, tpu.core_type = #tpu.core_type<sc_vector_subcore>, window_params = [{transform_indices = #map}, {transform_indices = #map1}, {transform_indices = #map1}]} {
    %mul3A = arith.constant 2 : i32
    %mul3A_0 = arith.muli %arg1, %mul3A : i32
    %add3A = arith.addi %mul3A_0, %arg0 : i32
    %mul3A_1 = arith.constant 102400 : i32
    %mul3A_2 = arith.muli %add3A, %mul3A_1 : i32
    %mul3A_3 = arith.constant 800 : i32
    %mul3A_4 = arith.muli %add3A, %mul3A_3 : i32
    %eq3A = arith.constant 0 : i32
    %eq3A_5 = arith.cmpi eq, %arg1, %eq3A : i32
    %convert_element_type3A = arith.extui %eq3A_5 : i1 to i32
    %cond3A = arith.constant 0 : i32
    %cond3A_6 = arith.cmpi ne, %convert_element_type3A, %cond3A : i32
    scf.if %cond3A_6 {
      "tpu.region"() ({
        %run_scoped3A = tpu.sem_alloc : memref<!tpu.dma_semaphore, #tpu.memory_space<semaphore_mem>>
        tpu.enqueue_dma source(%arg3 : memref<100x128xf32, #tpu.memory_space<hbm>>) target(%arg7 : memref<100x128xf32, #tpu.memory_space<vmem_shared>>) target_semaphore(%run_scoped3A : memref<!tpu.dma_semaphore, #tpu.memory_space<semaphore_mem>>)
        tpu.wait_dma2 semaphore(%run_scoped3A : memref<!tpu.dma_semaphore, #tpu.memory_space<semaphore_mem>>) src(%arg3 : memref<100x128xf32, #tpu.memory_space<hbm>>) dst(%arg7 : memref<100x128xf32, #tpu.memory_space<vmem_shared>>)
        tpu.yield
      }) : () -> ()
    } else {
    }
    %barrier3A = arith.constant 0 : index
    tpu.barrier barrier_id(%barrier3A)
    %add3A_7 = arith.constant 0 : i32
    %add3A_8 = arith.addi %mul3A_4, %add3A_7 : i32
    "tpu.region"() ({
      %run_scoped3A = tpu.sem_alloc : memref<!tpu.dma_semaphore, #tpu.memory_space<semaphore_mem>>
      %dma_start3A_819 = arith.constant 0 : i32
      %dma_start3A_820 = arith.constant 0 : i32
      %dma_start3A_821 = tpu.memref_slice %arg2[%add3A_8, %dma_start3A_819, %dma_start3A_820] : memref<25600x1x128xi32, #tpu.memory_space<hbm>> -> memref<400x1x128xi32, #tpu.memory_space<hbm>>
      %dma_start3A_822 = arith.constant 0 : i32
      %dma_start3A_823 = arith.constant 0 : i32
      %dma_start3A_824 = tpu.memref_slice %arg2[%add3A_8, %dma_start3A_822, %dma_start3A_823] : memref<25600x1x128xi32, #tpu.memory_space<hbm>> -> memref<400x1x128xi32, #tpu.memory_space<hbm>>
      tpu.enqueue_dma source(%dma_start3A_824 : memref<400x1x128xi32, #tpu.memory_space<hbm>>) target(%arg5 : memref<400x1x128xi32, #tpu.memory_space<vmem>>) target_semaphore(%run_scoped3A : memref<!tpu.dma_semaphore, #tpu.memory_space<semaphore_mem>>)
      %dma_wait3A_825 = arith.constant 0 : i32
      %dma_wait3A_826 = arith.constant 0 : i32
      %dma_wait3A_827 = tpu.memref_slice %arg2[%add3A_8, %dma_wait3A_825, %dma_wait3A_826] : memref<25600x1x128xi32, #tpu.memory_space<hbm>> -> memref<400x1x128xi32, #tpu.memory_space<hbm>>
      %dma_wait3A_828 = arith.constant 0 : i32
      %dma_wait3A_829 = arith.constant 0 : i32
      %dma_wait3A_830 = tpu.memref_slice %arg2[%add3A_8, %dma_wait3A_828, %dma_wait3A_829] : memref<25600x1x128xi32, #tpu.memory_space<hbm>> -> memref<400x1x128xi32, #tpu.memory_space<hbm>>
      tpu.wait_dma2 semaphore(%run_scoped3A : memref<!tpu.dma_semaphore, #tpu.memory_space<semaphore_mem>>) src(%dma_wait3A_830 : memref<400x1x128xi32, #tpu.memory_space<hbm>>) dst(%arg5 : memref<400x1x128xi32, #tpu.memory_space<vmem>>)
      tpu.yield
    }) : () -> ()
    %dma_start3A = arith.constant 0 : i32
    %dma_start3A_9 = arith.constant 0 : i32
    %dma_start3A_10 = arith.constant 0 : i32
    %dma_start3A_11 = arith.constant 0 : i32
    %dma_start3A_12 = arith.constant 0 : i32
    %dma_start3A_13 = tpu.memref_slice %arg6[%dma_start3A_10, %dma_start3A_11, %dma_start3A_12] : memref<4x128x128xf32, #tpu.memory_space<vmem>> -> memref<1x128x128xf32, #tpu.memory_space<vmem>>
    %dma_start3A_14 = tpu.memref_squeeze %dma_start3A_13 : memref<1x128x128xf32, #tpu.memory_space<vmem>> -> memref<128x128xf32, #tpu.memory_space<vmem>>
    %dma_start3A_15 = arith.constant 0 : i32
    %dma_start3A_16 = arith.constant 0 : i32
    %dma_start3A_17 = tpu.memref_slice %arg5[%dma_start3A, %dma_start3A_15, %dma_start3A_16] : memref<400x1x128xi32, #tpu.memory_space<vmem>> -> memref<1x1x128xi32, #tpu.memory_space<vmem>>
    %dma_start3A_18 = tpu.memref_squeeze %dma_start3A_17 : memref<1x1x128xi32, #tpu.memory_space<vmem>> -> memref<1x128xi32, #tpu.memory_space<vmem>>
    %dma_start3A_19 = arith.constant 0 : i32
    %dma_start3A_20 = tpu.memref_slice %dma_start3A_18[%dma_start3A_9, %dma_start3A_19] : memref<1x128xi32, #tpu.memory_space<vmem>> -> memref<1x128xi32, #tpu.memory_space<vmem>>
    %dma_start3A_21 = tpu.memref_squeeze %dma_start3A_20 : memref<1x128xi32, #tpu.memory_space<vmem>> -> memref<128xi32, #tpu.memory_space<vmem>>
    %dma_start3A_22 = arith.constant 0 : i32
    %dma_start3A_23 = arith.constant 0 : i32
    %dma_start3A_24 = tpu.memref_slice %arg7[%dma_start3A_22, %dma_start3A_23] : memref<100x128xf32, #tpu.memory_space<vmem_shared>> -> memref<100x128xf32, #tpu.memory_space<vmem_shared>>
    tpu.enqueue_indirect_dma source(%dma_start3A_24 : memref<100x128xf32, #tpu.memory_space<vmem_shared>>) target(%dma_start3A_14 : memref<128x128xf32, #tpu.memory_space<vmem>>) offsets(%dma_start3A_21 : memref<128xi32, #tpu.memory_space<vmem>>) semaphore(%arg8 : memref<!tpu.dma_semaphore, #tpu.memory_space<semaphore_mem>>)
    %dma_start3A_25 = arith.constant 1 : i32
    %dma_start3A_26 = arith.constant 0 : i32
    %dma_start3A_27 = arith.constant 1 : i32
    %dma_start3A_28 = arith.constant 0 : i32
    %dma_start3A_29 = arith.constant 0 : i32
    %dma_start3A_30 = tpu.memref_slice %arg6[%dma_start3A_27, %dma_start3A_28, %dma_start3A_29] : memref<4x128x128xf32, #tpu.memory_space<vmem>> -> memref<1x128x128xf32, #tpu.memory_space<vmem>>
    %dma_start3A_31 = tpu.memref_squeeze %dma_start3A_30 : memref<1x128x128xf32, #tpu.memory_space<vmem>> -> memref<128x128xf32, #tpu.memory_space<vmem>>
    %dma_start3A_32 = arith.constant 0 : i32
    %dma_start3A_33 = arith.constant 0 : i32
    %dma_start3A_34 = tpu.memref_slice %arg5[%dma_start3A_25, %dma_start3A_32, %dma_start3A_33] : memref<400x1x128xi32, #tpu.memory_space<vmem>> -> memref<1x1x128xi32, #tpu.memory_space<vmem>>
    %dma_start3A_35 = tpu.memref_squeeze %dma_start3A_34 : memref<1x1x128xi32, #tpu.memory_space<vmem>> -> memref<1x128xi32, #tpu.memory_space<vmem>>
    %dma_start3A_36 = arith.constant 0 : i32
    %dma_start3A_37 = tpu.memref_slice %dma_start3A_35[%dma_start3A_26, %dma_start3A_36] : memref<1x128xi32, #tpu.memory_space<vmem>> -> memref<1x128xi32, #tpu.memory_space<vmem>>
    %dma_start3A_38 = tpu.memref_squeeze %dma_start3A_37 : memref<1x128xi32, #tpu.memory_space<vmem>> -> memref<128xi32, #tpu.memory_space<vmem>>
    %dma_start3A_39 = arith.constant 0 : i32
    %dma_start3A_40 = arith.constant 0 : i32
    %dma_start3A_41 = tpu.memref_slice %arg7[%dma_start3A_39, %dma_start3A_40] : memref<100x128xf32, #tpu.memory_space<vmem_shared>> -> memref<100x128xf32, #tpu.memory_space<vmem_shared>>
    tpu.enqueue_indirect_dma source(%dma_start3A_41 : memref<100x128xf32, #tpu.memory_space<vmem_shared>>) target(%dma_start3A_31 : memref<128x128xf32, #tpu.memory_space<vmem>>) offsets(%dma_start3A_38 : memref<128xi32, #tpu.memory_space<vmem>>) semaphore(%arg9 : memref<!tpu.dma_semaphore, #tpu.memory_space<semaphore_mem>>)
    %dma_wait3A = arith.constant 0 : i32
    %dma_wait3A_42 = arith.constant 0 : i32
    %dma_wait3A_43 = arith.constant 0 : i32
    %dma_wait3A_44 = arith.constant 0 : i32
    %dma_wait3A_45 = arith.constant 0 : i32
    %dma_wait3A_46 = tpu.memref_slice %arg6[%dma_wait3A_43, %dma_wait3A_44, %dma_wait3A_45] : memref<4x128x128xf32, #tpu.memory_space<vmem>> -> memref<1x128x128xf32, #tpu.memory_space<vmem>>
    %dma_wait3A_47 = tpu.memref_squeeze %dma_wait3A_46 : memref<1x128x128xf32, #tpu.memory_space<vmem>> -> memref<128x128xf32, #tpu.memory_space<vmem>>
    %dma_wait3A_48 = arith.constant 0 : i32
    %dma_wait3A_49 = arith.constant 0 : i32
    %dma_wait3A_50 = tpu.memref_slice %arg5[%dma_wait3A, %dma_wait3A_48, %dma_wait3A_49] : memref<400x1x128xi32, #tpu.memory_space<vmem>> -> memref<1x1x128xi32, #tpu.memory_space<vmem>>
    %dma_wait3A_51 = tpu.memref_squeeze %dma_wait3A_50 : memref<1x1x128xi32, #tpu.memory_space<vmem>> -> memref<1x128xi32, #tpu.memory_space<vmem>>
    %dma_wait3A_52 = arith.constant 0 : i32
    %dma_wait3A_53 = tpu.memref_slice %dma_wait3A_51[%dma_wait3A_42, %dma_wait3A_52] : memref<1x128xi32, #tpu.memory_space<vmem>> -> memref<1x128xi32, #tpu.memory_space<vmem>>
    %dma_wait3A_54 = tpu.memref_squeeze %dma_wait3A_53 : memref<1x128xi32, #tpu.memory_space<vmem>> -> memref<128xi32, #tpu.memory_space<vmem>>
    %dma_wait3A_55 = arith.constant 0 : i32
    %dma_wait3A_56 = arith.constant 0 : i32
    %dma_wait3A_57 = tpu.memref_slice %arg7[%dma_wait3A_55, %dma_wait3A_56] : memref<100x128xf32, #tpu.memory_space<vmem_shared>> -> memref<100x128xf32, #tpu.memory_space<vmem_shared>>
    tpu.wait_indirect_dma semaphore(%arg8 : memref<!tpu.dma_semaphore, #tpu.memory_space<semaphore_mem>>) src(%dma_wait3A_57 : memref<100x128xf32, #tpu.memory_space<vmem_shared>>) dst(%dma_wait3A_47 : memref<128x128xf32, #tpu.memory_space<vmem>>)
    %add3A_58 = arith.constant 0 : i32
    %add3A_59 = arith.addi %mul3A_2, %add3A_58 : i32
    %dma_start3A_60 = arith.constant 0 : i32
    %dma_start3A_61 = arith.constant 0 : i32
    %dma_start3A_62 = arith.constant 0 : i32
    %dma_start3A_63 = tpu.memref_slice %arg6[%dma_start3A_60, %dma_start3A_61, %dma_start3A_62] : memref<4x128x128xf32, #tpu.memory_space<vmem>> -> memref<1x128x128xf32, #tpu.memory_space<vmem>>
    %dma_start3A_64 = tpu.memref_squeeze %dma_start3A_63 : memref<1x128x128xf32, #tpu.memory_space<vmem>> -> memref<128x128xf32, #tpu.memory_space<vmem>>
    %dma_start3A_65 = arith.constant 0 : i32
    %dma_start3A_66 = tpu.memref_slice %arg4[%add3A_59, %dma_start3A_65] : memref<3276800x128xf32, #tpu.memory_space<hbm>> -> memref<128x128xf32, #tpu.memory_space<hbm>>
    %dma_start3A_67 = arith.constant 0 : i32
    %dma_start3A_68 = tpu.memref_slice %arg4[%add3A_59, %dma_start3A_67] : memref<3276800x128xf32, #tpu.memory_space<hbm>> -> memref<128x128xf32, #tpu.memory_space<hbm>>
    %dma_start3A_69 = arith.constant 0 : i32
    %dma_start3A_70 = arith.constant 0 : i32
    %dma_start3A_71 = tpu.memref_slice %arg6[%dma_start3A_60, %dma_start3A_69, %dma_start3A_70] : memref<4x128x128xf32, #tpu.memory_space<vmem>> -> memref<1x128x128xf32, #tpu.memory_space<vmem>>
    %dma_start3A_72 = tpu.memref_squeeze %dma_start3A_71 : memref<1x128x128xf32, #tpu.memory_space<vmem>> -> memref<128x128xf32, #tpu.memory_space<vmem>>
    tpu.enqueue_dma source(%dma_start3A_72 : memref<128x128xf32, #tpu.memory_space<vmem>>) target(%dma_start3A_68 : memref<128x128xf32, #tpu.memory_space<hbm>>) target_semaphore(%arg12 : memref<!tpu.dma_semaphore, #tpu.memory_space<semaphore_mem>>)
    %dma_start3A_73 = arith.constant 2 : i32
    %dma_start3A_74 = arith.constant 0 : i32
    %dma_start3A_75 = arith.constant 2 : i32
    %dma_start3A_76 = arith.constant 0 : i32
    %dma_start3A_77 = arith.constant 0 : i32
    %dma_start3A_78 = tpu.memref_slice %arg6[%dma_start3A_75, %dma_start3A_76, %dma_start3A_77] : memref<4x128x128xf32, #tpu.memory_space<vmem>> -> memref<1x128x128xf32, #tpu.memory_space<vmem>>
    %dma_start3A_79 = tpu.memref_squeeze %dma_start3A_78 : memref<1x128x128xf32, #tpu.memory_space<vmem>> -> memref<128x128xf32, #tpu.memory_space<vmem>>
    %dma_start3A_80 = arith.constant 0 : i32
    %dma_start3A_81 = arith.constant 0 : i32
    %dma_start3A_82 = tpu.memref_slice %arg5[%dma_start3A_73, %dma_start3A_80, %dma_start3A_81] : memref<400x1x128xi32, #tpu.memory_space<vmem>> -> memref<1x1x128xi32, #tpu.memory_space<vmem>>
    %dma_start3A_83 = tpu.memref_squeeze %dma_start3A_82 : memref<1x1x128xi32, #tpu.memory_space<vmem>> -> memref<1x128xi32, #tpu.memory_space<vmem>>
    %dma_start3A_84 = arith.constant 0 : i32
    %dma_start3A_85 = tpu.memref_slice %dma_start3A_83[%dma_start3A_74, %dma_start3A_84] : memref<1x128xi32, #tpu.memory_space<vmem>> -> memref<1x128xi32, #tpu.memory_space<vmem>>
    %dma_start3A_86 = tpu.memref_squeeze %dma_start3A_85 : memref<1x128xi32, #tpu.memory_space<vmem>> -> memref<128xi32, #tpu.memory_space<vmem>>
    %dma_start3A_87 = arith.constant 0 : i32
    %dma_start3A_88 = arith.constant 0 : i32
    %dma_start3A_89 = tpu.memref_slice %arg7[%dma_start3A_87, %dma_start3A_88] : memref<100x128xf32, #tpu.memory_space<vmem_shared>> -> memref<100x128xf32, #tpu.memory_space<vmem_shared>>
    tpu.enqueue_indirect_dma source(%dma_start3A_89 : memref<100x128xf32, #tpu.memory_space<vmem_shared>>) target(%dma_start3A_79 : memref<128x128xf32, #tpu.memory_space<vmem>>) offsets(%dma_start3A_86 : memref<128xi32, #tpu.memory_space<vmem>>) semaphore(%arg10 : memref<!tpu.dma_semaphore, #tpu.memory_space<semaphore_mem>>)
    %dma_wait3A_90 = arith.constant 1 : i32
    %dma_wait3A_91 = arith.constant 0 : i32
    %dma_wait3A_92 = arith.constant 1 : i32
    %dma_wait3A_93 = arith.constant 0 : i32
    %dma_wait3A_94 = arith.constant 0 : i32
    %dma_wait3A_95 = tpu.memref_slice %arg6[%dma_wait3A_92, %dma_wait3A_93, %dma_wait3A_94] : memref<4x128x128xf32, #tpu.memory_space<vmem>> -> memref<1x128x128xf32, #tpu.memory_space<vmem>>
    %dma_wait3A_96 = tpu.memref_squeeze %dma_wait3A_95 : memref<1x128x128xf32, #tpu.memory_space<vmem>> -> memref<128x128xf32, #tpu.memory_space<vmem>>
    %dma_wait3A_97 = arith.constant 0 : i32
    %dma_wait3A_98 = arith.constant 0 : i32
    %dma_wait3A_99 = tpu.memref_slice %arg5[%dma_wait3A_90, %dma_wait3A_97, %dma_wait3A_98] : memref<400x1x128xi32, #tpu.memory_space<vmem>> -> memref<1x1x128xi32, #tpu.memory_space<vmem>>
    %dma_wait3A_100 = tpu.memref_squeeze %dma_wait3A_99 : memref<1x1x128xi32, #tpu.memory_space<vmem>> -> memref<1x128xi32, #tpu.memory_space<vmem>>
    %dma_wait3A_101 = arith.constant 0 : i32
    %dma_wait3A_102 = tpu.memref_slice %dma_wait3A_100[%dma_wait3A_91, %dma_wait3A_101] : memref<1x128xi32, #tpu.memory_space<vmem>> -> memref<1x128xi32, #tpu.memory_space<vmem>>
    %dma_wait3A_103 = tpu.memref_squeeze %dma_wait3A_102 : memref<1x128xi32, #tpu.memory_space<vmem>> -> memref<128xi32, #tpu.memory_space<vmem>>
    %dma_wait3A_104 = arith.constant 0 : i32
    %dma_wait3A_105 = arith.constant 0 : i32
    %dma_wait3A_106 = tpu.memref_slice %arg7[%dma_wait3A_104, %dma_wait3A_105] : memref<100x128xf32, #tpu.memory_space<vmem_shared>> -> memref<100x128xf32, #tpu.memory_space<vmem_shared>>
    tpu.wait_indirect_dma semaphore(%arg9 : memref<!tpu.dma_semaphore, #tpu.memory_space<semaphore_mem>>) src(%dma_wait3A_106 : memref<100x128xf32, #tpu.memory_space<vmem_shared>>) dst(%dma_wait3A_96 : memref<128x128xf32, #tpu.memory_space<vmem>>)
    %add3A_107 = arith.constant 128 : i32
    %add3A_108 = arith.addi %mul3A_2, %add3A_107 : i32
    %dma_start3A_109 = arith.constant 1 : i32
    %dma_start3A_110 = arith.constant 0 : i32
    %dma_start3A_111 = arith.constant 0 : i32
    %dma_start3A_112 = tpu.memref_slice %arg6[%dma_start3A_109, %dma_start3A_110, %dma_start3A_111] : memref<4x128x128xf32, #tpu.memory_space<vmem>> -> memref<1x128x128xf32, #tpu.memory_space<vmem>>
    %dma_start3A_113 = tpu.memref_squeeze %dma_start3A_112 : memref<1x128x128xf32, #tpu.memory_space<vmem>> -> memref<128x128xf32, #tpu.memory_space<vmem>>
    %dma_start3A_114 = arith.constant 0 : i32
    %dma_start3A_115 = tpu.memref_slice %arg4[%add3A_108, %dma_start3A_114] : memref<3276800x128xf32, #tpu.memory_space<hbm>> -> memref<128x128xf32, #tpu.memory_space<hbm>>
    %dma_start3A_116 = arith.constant 0 : i32
    %dma_start3A_117 = tpu.memref_slice %arg4[%add3A_108, %dma_start3A_116] : memref<3276800x128xf32, #tpu.memory_space<hbm>> -> memref<128x128xf32, #tpu.memory_space<hbm>>
    %dma_start3A_118 = arith.constant 0 : i32
    %dma_start3A_119 = arith.constant 0 : i32
    %dma_start3A_120 = tpu.memref_slice %arg6[%dma_start3A_109, %dma_start3A_118, %dma_start3A_119] : memref<4x128x128xf32, #tpu.memory_space<vmem>> -> memref<1x128x128xf32, #tpu.memory_space<vmem>>
    %dma_start3A_121 = tpu.memref_squeeze %dma_start3A_120 : memref<1x128x128xf32, #tpu.memory_space<vmem>> -> memref<128x128xf32, #tpu.memory_space<vmem>>
    tpu.enqueue_dma source(%dma_start3A_121 : memref<128x128xf32, #tpu.memory_space<vmem>>) target(%dma_start3A_117 : memref<128x128xf32, #tpu.memory_space<hbm>>) target_semaphore(%arg13 : memref<!tpu.dma_semaphore, #tpu.memory_space<semaphore_mem>>)
    %dma_start3A_122 = arith.constant 3 : i32
    %dma_start3A_123 = arith.constant 0 : i32
    %dma_start3A_124 = arith.constant 3 : i32
    %dma_start3A_125 = arith.constant 0 : i32
    %dma_start3A_126 = arith.constant 0 : i32
    %dma_start3A_127 = tpu.memref_slice %arg6[%dma_start3A_124, %dma_start3A_125, %dma_start3A_126] : memref<4x128x128xf32, #tpu.memory_space<vmem>> -> memref<1x128x128xf32, #tpu.memory_space<vmem>>
    %dma_start3A_128 = tpu.memref_squeeze %dma_start3A_127 : memref<1x128x128xf32, #tpu.memory_space<vmem>> -> memref<128x128xf32, #tpu.memory_space<vmem>>
    %dma_start3A_129 = arith.constant 0 : i32
    %dma_start3A_130 = arith.constant 0 : i32
    %dma_start3A_131 = tpu.memref_slice %arg5[%dma_start3A_122, %dma_start3A_129, %dma_start3A_130] : memref<400x1x128xi32, #tpu.memory_space<vmem>> -> memref<1x1x128xi32, #tpu.memory_space<vmem>>
    %dma_start3A_132 = tpu.memref_squeeze %dma_start3A_131 : memref<1x1x128xi32, #tpu.memory_space<vmem>> -> memref<1x128xi32, #tpu.memory_space<vmem>>
    %dma_start3A_133 = arith.constant 0 : i32
    %dma_start3A_134 = tpu.memref_slice %dma_start3A_132[%dma_start3A_123, %dma_start3A_133] : memref<1x128xi32, #tpu.memory_space<vmem>> -> memref<1x128xi32, #tpu.memory_space<vmem>>
    %dma_start3A_135 = tpu.memref_squeeze %dma_start3A_134 : memref<1x128xi32, #tpu.memory_space<vmem>> -> memref<128xi32, #tpu.memory_space<vmem>>
    %dma_start3A_136 = arith.constant 0 : i32
    %dma_start3A_137 = arith.constant 0 : i32
    %dma_start3A_138 = tpu.memref_slice %arg7[%dma_start3A_136, %dma_start3A_137] : memref<100x128xf32, #tpu.memory_space<vmem_shared>> -> memref<100x128xf32, #tpu.memory_space<vmem_shared>>
    tpu.enqueue_indirect_dma source(%dma_start3A_138 : memref<100x128xf32, #tpu.memory_space<vmem_shared>>) target(%dma_start3A_128 : memref<128x128xf32, #tpu.memory_space<vmem>>) offsets(%dma_start3A_135 : memref<128xi32, #tpu.memory_space<vmem>>) semaphore(%arg11 : memref<!tpu.dma_semaphore, #tpu.memory_space<semaphore_mem>>)
    %dma_wait3A_139 = arith.constant 2 : i32
    %dma_wait3A_140 = arith.constant 0 : i32
    %dma_wait3A_141 = arith.constant 2 : i32
    %dma_wait3A_142 = arith.constant 0 : i32
    %dma_wait3A_143 = arith.constant 0 : i32
    %dma_wait3A_144 = tpu.memref_slice %arg6[%dma_wait3A_141, %dma_wait3A_142, %dma_wait3A_143] : memref<4x128x128xf32, #tpu.memory_space<vmem>> -> memref<1x128x128xf32, #tpu.memory_space<vmem>>
    %dma_wait3A_145 = tpu.memref_squeeze %dma_wait3A_144 : memref<1x128x128xf32, #tpu.memory_space<vmem>> -> memref<128x128xf32, #tpu.memory_space<vmem>>
    %dma_wait3A_146 = arith.constant 0 : i32
    %dma_wait3A_147 = arith.constant 0 : i32
    %dma_wait3A_148 = tpu.memref_slice %arg5[%dma_wait3A_139, %dma_wait3A_146, %dma_wait3A_147] : memref<400x1x128xi32, #tpu.memory_space<vmem>> -> memref<1x1x128xi32, #tpu.memory_space<vmem>>
    %dma_wait3A_149 = tpu.memref_squeeze %dma_wait3A_148 : memref<1x1x128xi32, #tpu.memory_space<vmem>> -> memref<1x128xi32, #tpu.memory_space<vmem>>
    %dma_wait3A_150 = arith.constant 0 : i32
    %dma_wait3A_151 = tpu.memref_slice %dma_wait3A_149[%dma_wait3A_140, %dma_wait3A_150] : memref<1x128xi32, #tpu.memory_space<vmem>> -> memref<1x128xi32, #tpu.memory_space<vmem>>
    %dma_wait3A_152 = tpu.memref_squeeze %dma_wait3A_151 : memref<1x128xi32, #tpu.memory_space<vmem>> -> memref<128xi32, #tpu.memory_space<vmem>>
    %dma_wait3A_153 = arith.constant 0 : i32
    %dma_wait3A_154 = arith.constant 0 : i32
    %dma_wait3A_155 = tpu.memref_slice %arg7[%dma_wait3A_153, %dma_wait3A_154] : memref<100x128xf32, #tpu.memory_space<vmem_shared>> -> memref<100x128xf32, #tpu.memory_space<vmem_shared>>
    tpu.wait_indirect_dma semaphore(%arg10 : memref<!tpu.dma_semaphore, #tpu.memory_space<semaphore_mem>>) src(%dma_wait3A_155 : memref<100x128xf32, #tpu.memory_space<vmem_shared>>) dst(%dma_wait3A_145 : memref<128x128xf32, #tpu.memory_space<vmem>>)
    %add3A_156 = arith.constant 256 : i32
    %add3A_157 = arith.addi %mul3A_2, %add3A_156 : i32
    %dma_start3A_158 = arith.constant 2 : i32
    %dma_start3A_159 = arith.constant 0 : i32
    %dma_start3A_160 = arith.constant 0 : i32
    %dma_start3A_161 = tpu.memref_slice %arg6[%dma_start3A_158, %dma_start3A_159, %dma_start3A_160] : memref<4x128x128xf32, #tpu.memory_space<vmem>> -> memref<1x128x128xf32, #tpu.memory_space<vmem>>
    %dma_start3A_162 = tpu.memref_squeeze %dma_start3A_161 : memref<1x128x128xf32, #tpu.memory_space<vmem>> -> memref<128x128xf32, #tpu.memory_space<vmem>>
    %dma_start3A_163 = arith.constant 0 : i32
    %dma_start3A_164 = tpu.memref_slice %arg4[%add3A_157, %dma_start3A_163] : memref<3276800x128xf32, #tpu.memory_space<hbm>> -> memref<128x128xf32, #tpu.memory_space<hbm>>
    %dma_start3A_165 = arith.constant 0 : i32
    %dma_start3A_166 = tpu.memref_slice %arg4[%add3A_157, %dma_start3A_165] : memref<3276800x128xf32, #tpu.memory_space<hbm>> -> memref<128x128xf32, #tpu.memory_space<hbm>>
    %dma_start3A_167 = arith.constant 0 : i32
    %dma_start3A_168 = arith.constant 0 : i32
    %dma_start3A_169 = tpu.memref_slice %arg6[%dma_start3A_158, %dma_start3A_167, %dma_start3A_168] : memref<4x128x128xf32, #tpu.memory_space<vmem>> -> memref<1x128x128xf32, #tpu.memory_space<vmem>>
    %dma_start3A_170 = tpu.memref_squeeze %dma_start3A_169 : memref<1x128x128xf32, #tpu.memory_space<vmem>> -> memref<128x128xf32, #tpu.memory_space<vmem>>
    tpu.enqueue_dma source(%dma_start3A_170 : memref<128x128xf32, #tpu.memory_space<vmem>>) target(%dma_start3A_166 : memref<128x128xf32, #tpu.memory_space<hbm>>) target_semaphore(%arg14 : memref<!tpu.dma_semaphore, #tpu.memory_space<semaphore_mem>>)
    %add3A_171 = arith.constant 0 : i32
    %add3A_172 = arith.addi %mul3A_2, %add3A_171 : i32
    %dma_wait3A_173 = arith.constant 0 : i32
    %dma_wait3A_174 = arith.constant 0 : i32
    %dma_wait3A_175 = arith.constant 0 : i32
    %dma_wait3A_176 = tpu.memref_slice %arg6[%dma_wait3A_173, %dma_wait3A_174, %dma_wait3A_175] : memref<4x128x128xf32, #tpu.memory_space<vmem>> -> memref<1x128x128xf32, #tpu.memory_space<vmem>>
    %dma_wait3A_177 = tpu.memref_squeeze %dma_wait3A_176 : memref<1x128x128xf32, #tpu.memory_space<vmem>> -> memref<128x128xf32, #tpu.memory_space<vmem>>
    %dma_wait3A_178 = arith.constant 0 : i32
    %dma_wait3A_179 = tpu.memref_slice %arg4[%add3A_172, %dma_wait3A_178] : memref<3276800x128xf32, #tpu.memory_space<hbm>> -> memref<128x128xf32, #tpu.memory_space<hbm>>
    %dma_wait3A_180 = arith.constant 0 : i32
    %dma_wait3A_181 = tpu.memref_slice %arg4[%add3A_172, %dma_wait3A_180] : memref<3276800x128xf32, #tpu.memory_space<hbm>> -> memref<128x128xf32, #tpu.memory_space<hbm>>
    %dma_wait3A_182 = arith.constant 0 : i32
    %dma_wait3A_183 = arith.constant 0 : i32
    %dma_wait3A_184 = tpu.memref_slice %arg6[%dma_wait3A_173, %dma_wait3A_182, %dma_wait3A_183] : memref<4x128x128xf32, #tpu.memory_space<vmem>> -> memref<1x128x128xf32, #tpu.memory_space<vmem>>
    %dma_wait3A_185 = tpu.memref_squeeze %dma_wait3A_184 : memref<1x128x128xf32, #tpu.memory_space<vmem>> -> memref<128x128xf32, #tpu.memory_space<vmem>>
    tpu.wait_dma2 semaphore(%arg12 : memref<!tpu.dma_semaphore, #tpu.memory_space<semaphore_mem>>) src(%dma_wait3A_185 : memref<128x128xf32, #tpu.memory_space<vmem>>) dst(%dma_wait3A_181 : memref<128x128xf32, #tpu.memory_space<hbm>>)
    %dma_start3A_186 = arith.constant 4 : i32
    %dma_start3A_187 = arith.constant 0 : i32
    %dma_start3A_188 = arith.constant 0 : i32
    %dma_start3A_189 = arith.constant 0 : i32
    %dma_start3A_190 = arith.constant 0 : i32
    %dma_start3A_191 = tpu.memref_slice %arg6[%dma_start3A_188, %dma_start3A_189, %dma_start3A_190] : memref<4x128x128xf32, #tpu.memory_space<vmem>> -> memref<1x128x128xf32, #tpu.memory_space<vmem>>
    %dma_start3A_192 = tpu.memref_squeeze %dma_start3A_191 : memref<1x128x128xf32, #tpu.memory_space<vmem>> -> memref<128x128xf32, #tpu.memory_space<vmem>>
    %dma_start3A_193 = arith.constant 0 : i32
    %dma_start3A_194 = arith.constant 0 : i32
    %dma_start3A_195 = tpu.memref_slice %arg5[%dma_start3A_186, %dma_start3A_193, %dma_start3A_194] : memref<400x1x128xi32, #tpu.memory_space<vmem>> -> memref<1x1x128xi32, #tpu.memory_space<vmem>>
    %dma_start3A_196 = tpu.memref_squeeze %dma_start3A_195 : memref<1x1x128xi32, #tpu.memory_space<vmem>> -> memref<1x128xi32, #tpu.memory_space<vmem>>
    %dma_start3A_197 = arith.constant 0 : i32
    %dma_start3A_198 = tpu.memref_slice %dma_start3A_196[%dma_start3A_187, %dma_start3A_197] : memref<1x128xi32, #tpu.memory_space<vmem>> -> memref<1x128xi32, #tpu.memory_space<vmem>>
    %dma_start3A_199 = tpu.memref_squeeze %dma_start3A_198 : memref<1x128xi32, #tpu.memory_space<vmem>> -> memref<128xi32, #tpu.memory_space<vmem>>
    %dma_start3A_200 = arith.constant 0 : i32
    %dma_start3A_201 = arith.constant 0 : i32
    %dma_start3A_202 = tpu.memref_slice %arg7[%dma_start3A_200, %dma_start3A_201] : memref<100x128xf32, #tpu.memory_space<vmem_shared>> -> memref<100x128xf32, #tpu.memory_space<vmem_shared>>
    tpu.enqueue_indirect_dma source(%dma_start3A_202 : memref<100x128xf32, #tpu.memory_space<vmem_shared>>) target(%dma_start3A_192 : memref<128x128xf32, #tpu.memory_space<vmem>>) offsets(%dma_start3A_199 : memref<128xi32, #tpu.memory_space<vmem>>) semaphore(%arg8 : memref<!tpu.dma_semaphore, #tpu.memory_space<semaphore_mem>>)
    %dma_wait3A_203 = arith.constant 3 : i32
    %dma_wait3A_204 = arith.constant 0 : i32
    %dma_wait3A_205 = arith.constant 3 : i32
    %dma_wait3A_206 = arith.constant 0 : i32
    %dma_wait3A_207 = arith.constant 0 : i32
    %dma_wait3A_208 = tpu.memref_slice %arg6[%dma_wait3A_205, %dma_wait3A_206, %dma_wait3A_207] : memref<4x128x128xf32, #tpu.memory_space<vmem>> -> memref<1x128x128xf32, #tpu.memory_space<vmem>>
    %dma_wait3A_209 = tpu.memref_squeeze %dma_wait3A_208 : memref<1x128x128xf32, #tpu.memory_space<vmem>> -> memref<128x128xf32, #tpu.memory_space<vmem>>
    %dma_wait3A_210 = arith.constant 0 : i32
    %dma_wait3A_211 = arith.constant 0 : i32
    %dma_wait3A_212 = tpu.memref_slice %arg5[%dma_wait3A_203, %dma_wait3A_210, %dma_wait3A_211] : memref<400x1x128xi32, #tpu.memory_space<vmem>> -> memref<1x1x128xi32, #tpu.memory_space<vmem>>
    %dma_wait3A_213 = tpu.memref_squeeze %dma_wait3A_212 : memref<1x1x128xi32, #tpu.memory_space<vmem>> -> memref<1x128xi32, #tpu.memory_space<vmem>>
    %dma_wait3A_214 = arith.constant 0 : i32
    %dma_wait3A_215 = tpu.memref_slice %dma_wait3A_213[%dma_wait3A_204, %dma_wait3A_214] : memref<1x128xi32, #tpu.memory_space<vmem>> -> memref<1x128xi32, #tpu.memory_space<vmem>>
    %dma_wait3A_216 = tpu.memref_squeeze %dma_wait3A_215 : memref<1x128xi32, #tpu.memory_space<vmem>> -> memref<128xi32, #tpu.memory_space<vmem>>
    %dma_wait3A_217 = arith.constant 0 : i32
    %dma_wait3A_218 = arith.constant 0 : i32
    %dma_wait3A_219 = tpu.memref_slice %arg7[%dma_wait3A_217, %dma_wait3A_218] : memref<100x128xf32, #tpu.memory_space<vmem_shared>> -> memref<100x128xf32, #tpu.memory_space<vmem_shared>>
    tpu.wait_indirect_dma semaphore(%arg11 : memref<!tpu.dma_semaphore, #tpu.memory_space<semaphore_mem>>) src(%dma_wait3A_219 : memref<100x128xf32, #tpu.memory_space<vmem_shared>>) dst(%dma_wait3A_209 : memref<128x128xf32, #tpu.memory_space<vmem>>)
    %add3A_220 = arith.constant 384 : i32
    %add3A_221 = arith.addi %mul3A_2, %add3A_220 : i32
    %dma_start3A_222 = arith.constant 3 : i32
    %dma_start3A_223 = arith.constant 0 : i32
    %dma_start3A_224 = arith.constant 0 : i32
    %dma_start3A_225 = tpu.memref_slice %arg6[%dma_start3A_222, %dma_start3A_223, %dma_start3A_224] : memref<4x128x128xf32, #tpu.memory_space<vmem>> -> memref<1x128x128xf32, #tpu.memory_space<vmem>>
    %dma_start3A_226 = tpu.memref_squeeze %dma_start3A_225 : memref<1x128x128xf32, #tpu.memory_space<vmem>> -> memref<128x128xf32, #tpu.memory_space<vmem>>
    %dma_start3A_227 = arith.constant 0 : i32
    %dma_start3A_228 = tpu.memref_slice %arg4[%add3A_221, %dma_start3A_227] : memref<3276800x128xf32, #tpu.memory_space<hbm>> -> memref<128x128xf32, #tpu.memory_space<hbm>>
    %dma_start3A_229 = arith.constant 0 : i32
    %dma_start3A_230 = tpu.memref_slice %arg4[%add3A_221, %dma_start3A_229] : memref<3276800x128xf32, #tpu.memory_space<hbm>> -> memref<128x128xf32, #tpu.memory_space<hbm>>
    %dma_start3A_231 = arith.constant 0 : i32
    %dma_start3A_232 = arith.constant 0 : i32
    %dma_start3A_233 = tpu.memref_slice %arg6[%dma_start3A_222, %dma_start3A_231, %dma_start3A_232] : memref<4x128x128xf32, #tpu.memory_space<vmem>> -> memref<1x128x128xf32, #tpu.memory_space<vmem>>
    %dma_start3A_234 = tpu.memref_squeeze %dma_start3A_233 : memref<1x128x128xf32, #tpu.memory_space<vmem>> -> memref<128x128xf32, #tpu.memory_space<vmem>>
    tpu.enqueue_dma source(%dma_start3A_234 : memref<128x128xf32, #tpu.memory_space<vmem>>) target(%dma_start3A_230 : memref<128x128xf32, #tpu.memory_space<hbm>>) target_semaphore(%arg15 : memref<!tpu.dma_semaphore, #tpu.memory_space<semaphore_mem>>)
    %scan3A = arith.constant 0 : i32
    %scan3A_235 = arith.constant 1 : i32
    %scan3A_236 = arith.constant 98 : i32
    %scan3A_237 = arith.addi %scan3A_235, %scan3A_236 : i32
    %scan3A_238 = arith.constant 1 : i32
    scf.for %scan3A_819 = %scan3A_235 to %scan3A_237 step %scan3A_238  : i32 {
      %mul3A_820 = arith.constant 4 : i32
      %mul3A_821 = arith.muli %mul3A_820, %scan3A_819 : i32
      %add3A_822 = arith.constant 0 : i32
      %add3A_823 = arith.addi %add3A_822, %mul3A_821 : i32
      %add3A_824 = arith.constant 0 : i32
      %add3A_825 = arith.addi %add3A_823, %add3A_824 : i32
      %mul3A_826 = arith.constant 4 : i32
      %mul3A_827 = arith.muli %mul3A_826, %scan3A_819 : i32
      %add3A_828 = arith.constant 0 : i32
      %add3A_829 = arith.addi %mul3A_827, %add3A_828 : i32
      %sub3A_830 = arith.constant 3 : i32
      %sub3A_831 = arith.subi %add3A_825, %sub3A_830 : i32
      %mul3A_832 = arith.constant 128 : i32
      %mul3A_833 = arith.muli %sub3A_831, %mul3A_832 : i32
      %add3A_834 = arith.addi %mul3A_2, %mul3A_833 : i32
      %dma_wait3A_835 = arith.constant 1 : i32
      %dma_wait3A_836 = arith.constant 0 : i32
      %dma_wait3A_837 = arith.constant 0 : i32
      %dma_wait3A_838 = tpu.memref_slice %arg6[%dma_wait3A_835, %dma_wait3A_836, %dma_wait3A_837] : memref<4x128x128xf32, #tpu.memory_space<vmem>> -> memref<1x128x128xf32, #tpu.memory_space<vmem>>
      %dma_wait3A_839 = tpu.memref_squeeze %dma_wait3A_838 : memref<1x128x128xf32, #tpu.memory_space<vmem>> -> memref<128x128xf32, #tpu.memory_space<vmem>>
      %dma_wait3A_840 = arith.constant 0 : i32
      %dma_wait3A_841 = tpu.memref_slice %arg4[%add3A_834, %dma_wait3A_840] : memref<3276800x128xf32, #tpu.memory_space<hbm>> -> memref<128x128xf32, #tpu.memory_space<hbm>>
      %dma_wait3A_842 = arith.constant 0 : i32
      %dma_wait3A_843 = tpu.memref_slice %arg4[%add3A_834, %dma_wait3A_842] : memref<3276800x128xf32, #tpu.memory_space<hbm>> -> memref<128x128xf32, #tpu.memory_space<hbm>>
      %dma_wait3A_844 = arith.constant 0 : i32
      %dma_wait3A_845 = arith.constant 0 : i32
      %dma_wait3A_846 = tpu.memref_slice %arg6[%dma_wait3A_835, %dma_wait3A_844, %dma_wait3A_845] : memref<4x128x128xf32, #tpu.memory_space<vmem>> -> memref<1x128x128xf32, #tpu.memory_space<vmem>>
      %dma_wait3A_847 = tpu.memref_squeeze %dma_wait3A_846 : memref<1x128x128xf32, #tpu.memory_space<vmem>> -> memref<128x128xf32, #tpu.memory_space<vmem>>
      tpu.wait_dma2 semaphore(%arg13 : memref<!tpu.dma_semaphore, #tpu.memory_space<semaphore_mem>>) src(%dma_wait3A_847 : memref<128x128xf32, #tpu.memory_space<vmem>>) dst(%dma_wait3A_843 : memref<128x128xf32, #tpu.memory_space<hbm>>)
      %add3A_848 = arith.constant 1 : i32
      %add3A_849 = arith.addi %add3A_829, %add3A_848 : i32
      %dma_start3A_850 = arith.constant 0 : i32
      %dma_start3A_851 = arith.constant 1 : i32
      %dma_start3A_852 = arith.constant 0 : i32
      %dma_start3A_853 = arith.constant 0 : i32
      %dma_start3A_854 = tpu.memref_slice %arg6[%dma_start3A_851, %dma_start3A_852, %dma_start3A_853] : memref<4x128x128xf32, #tpu.memory_space<vmem>> -> memref<1x128x128xf32, #tpu.memory_space<vmem>>
      %dma_start3A_855 = tpu.memref_squeeze %dma_start3A_854 : memref<1x128x128xf32, #tpu.memory_space<vmem>> -> memref<128x128xf32, #tpu.memory_space<vmem>>
      %dma_start3A_856 = arith.constant 0 : i32
      %dma_start3A_857 = arith.constant 0 : i32
      %dma_start3A_858 = tpu.memref_slice %arg5[%add3A_849, %dma_start3A_856, %dma_start3A_857] : memref<400x1x128xi32, #tpu.memory_space<vmem>> -> memref<1x1x128xi32, #tpu.memory_space<vmem>>
      %dma_start3A_859 = tpu.memref_squeeze %dma_start3A_858 : memref<1x1x128xi32, #tpu.memory_space<vmem>> -> memref<1x128xi32, #tpu.memory_space<vmem>>
      %dma_start3A_860 = arith.constant 0 : i32
      %dma_start3A_861 = tpu.memref_slice %dma_start3A_859[%dma_start3A_850, %dma_start3A_860] : memref<1x128xi32, #tpu.memory_space<vmem>> -> memref<1x128xi32, #tpu.memory_space<vmem>>
      %dma_start3A_862 = tpu.memref_squeeze %dma_start3A_861 : memref<1x128xi32, #tpu.memory_space<vmem>> -> memref<128xi32, #tpu.memory_space<vmem>>
      %dma_start3A_863 = arith.constant 0 : i32
      %dma_start3A_864 = arith.constant 0 : i32
      %dma_start3A_865 = tpu.memref_slice %arg7[%dma_start3A_863, %dma_start3A_864] : memref<100x128xf32, #tpu.memory_space<vmem_shared>> -> memref<100x128xf32, #tpu.memory_space<vmem_shared>>
      tpu.enqueue_indirect_dma source(%dma_start3A_865 : memref<100x128xf32, #tpu.memory_space<vmem_shared>>) target(%dma_start3A_855 : memref<128x128xf32, #tpu.memory_space<vmem>>) offsets(%dma_start3A_862 : memref<128xi32, #tpu.memory_space<vmem>>) semaphore(%arg9 : memref<!tpu.dma_semaphore, #tpu.memory_space<semaphore_mem>>)
      %dma_wait3A_866 = arith.constant 0 : i32
      %dma_wait3A_867 = arith.constant 0 : i32
      %dma_wait3A_868 = arith.constant 0 : i32
      %dma_wait3A_869 = arith.constant 0 : i32
      %dma_wait3A_870 = tpu.memref_slice %arg6[%dma_wait3A_867, %dma_wait3A_868, %dma_wait3A_869] : memref<4x128x128xf32, #tpu.memory_space<vmem>> -> memref<1x128x128xf32, #tpu.memory_space<vmem>>
      %dma_wait3A_871 = tpu.memref_squeeze %dma_wait3A_870 : memref<1x128x128xf32, #tpu.memory_space<vmem>> -> memref<128x128xf32, #tpu.memory_space<vmem>>
      %dma_wait3A_872 = arith.constant 0 : i32
      %dma_wait3A_873 = arith.constant 0 : i32
      %dma_wait3A_874 = tpu.memref_slice %arg5[%add3A_829, %dma_wait3A_872, %dma_wait3A_873] : memref<400x1x128xi32, #tpu.memory_space<vmem>> -> memref<1x1x128xi32, #tpu.memory_space<vmem>>
      %dma_wait3A_875 = tpu.memref_squeeze %dma_wait3A_874 : memref<1x1x128xi32, #tpu.memory_space<vmem>> -> memref<1x128xi32, #tpu.memory_space<vmem>>
      %dma_wait3A_876 = arith.constant 0 : i32
      %dma_wait3A_877 = tpu.memref_slice %dma_wait3A_875[%dma_wait3A_866, %dma_wait3A_876] : memref<1x128xi32, #tpu.memory_space<vmem>> -> memref<1x128xi32, #tpu.memory_space<vmem>>
      %dma_wait3A_878 = tpu.memref_squeeze %dma_wait3A_877 : memref<1x128xi32, #tpu.memory_space<vmem>> -> memref<128xi32, #tpu.memory_space<vmem>>
      %dma_wait3A_879 = arith.constant 0 : i32
      %dma_wait3A_880 = arith.constant 0 : i32
      %dma_wait3A_881 = tpu.memref_slice %arg7[%dma_wait3A_879, %dma_wait3A_880] : memref<100x128xf32, #tpu.memory_space<vmem_shared>> -> memref<100x128xf32, #tpu.memory_space<vmem_shared>>
      tpu.wait_indirect_dma semaphore(%arg8 : memref<!tpu.dma_semaphore, #tpu.memory_space<semaphore_mem>>) src(%dma_wait3A_881 : memref<100x128xf32, #tpu.memory_space<vmem_shared>>) dst(%dma_wait3A_871 : memref<128x128xf32, #tpu.memory_space<vmem>>)
      %mul3A_882 = arith.constant 128 : i32
      %mul3A_883 = arith.muli %add3A_825, %mul3A_882 : i32
      %add3A_884 = arith.addi %mul3A_2, %mul3A_883 : i32
      %dma_start3A_885 = arith.constant 0 : i32
      %dma_start3A_886 = arith.constant 0 : i32
      %dma_start3A_887 = arith.constant 0 : i32
      %dma_start3A_888 = tpu.memref_slice %arg6[%dma_start3A_885, %dma_start3A_886, %dma_start3A_887] : memref<4x128x128xf32, #tpu.memory_space<vmem>> -> memref<1x128x128xf32, #tpu.memory_space<vmem>>
      %dma_start3A_889 = tpu.memref_squeeze %dma_start3A_888 : memref<1x128x128xf32, #tpu.memory_space<vmem>> -> memref<128x128xf32, #tpu.memory_space<vmem>>
      %dma_start3A_890 = arith.constant 0 : i32
      %dma_start3A_891 = tpu.memref_slice %arg4[%add3A_884, %dma_start3A_890] : memref<3276800x128xf32, #tpu.memory_space<hbm>> -> memref<128x128xf32, #tpu.memory_space<hbm>>
      %dma_start3A_892 = arith.constant 0 : i32
      %dma_start3A_893 = tpu.memref_slice %arg4[%add3A_884, %dma_start3A_892] : memref<3276800x128xf32, #tpu.memory_space<hbm>> -> memref<128x128xf32, #tpu.memory_space<hbm>>
      %dma_start3A_894 = arith.constant 0 : i32
      %dma_start3A_895 = arith.constant 0 : i32
      %dma_start3A_896 = tpu.memref_slice %arg6[%dma_start3A_885, %dma_start3A_894, %dma_start3A_895] : memref<4x128x128xf32, #tpu.memory_space<vmem>> -> memref<1x128x128xf32, #tpu.memory_space<vmem>>
      %dma_start3A_897 = tpu.memref_squeeze %dma_start3A_896 : memref<1x128x128xf32, #tpu.memory_space<vmem>> -> memref<128x128xf32, #tpu.memory_space<vmem>>
      tpu.enqueue_dma source(%dma_start3A_897 : memref<128x128xf32, #tpu.memory_space<vmem>>) target(%dma_start3A_893 : memref<128x128xf32, #tpu.memory_space<hbm>>) target_semaphore(%arg12 : memref<!tpu.dma_semaphore, #tpu.memory_space<semaphore_mem>>)
      %add3A_898 = arith.constant 1 : i32
      %add3A_899 = arith.addi %add3A_823, %add3A_898 : i32
      %mul3A_900 = arith.constant 4 : i32
      %mul3A_901 = arith.muli %mul3A_900, %scan3A_819 : i32
      %add3A_902 = arith.constant 1 : i32
      %add3A_903 = arith.addi %mul3A_901, %add3A_902 : i32
      %sub3A_904 = arith.constant 3 : i32
      %sub3A_905 = arith.subi %add3A_899, %sub3A_904 : i32
      %mul3A_906 = arith.constant 128 : i32
      %mul3A_907 = arith.muli %sub3A_905, %mul3A_906 : i32
      %add3A_908 = arith.addi %mul3A_2, %mul3A_907 : i32
      %dma_wait3A_909 = arith.constant 2 : i32
      %dma_wait3A_910 = arith.constant 0 : i32
      %dma_wait3A_911 = arith.constant 0 : i32
      %dma_wait3A_912 = tpu.memref_slice %arg6[%dma_wait3A_909, %dma_wait3A_910, %dma_wait3A_911] : memref<4x128x128xf32, #tpu.memory_space<vmem>> -> memref<1x128x128xf32, #tpu.memory_space<vmem>>
      %dma_wait3A_913 = tpu.memref_squeeze %dma_wait3A_912 : memref<1x128x128xf32, #tpu.memory_space<vmem>> -> memref<128x128xf32, #tpu.memory_space<vmem>>
      %dma_wait3A_914 = arith.constant 0 : i32
      %dma_wait3A_915 = tpu.memref_slice %arg4[%add3A_908, %dma_wait3A_914] : memref<3276800x128xf32, #tpu.memory_space<hbm>> -> memref<128x128xf32, #tpu.memory_space<hbm>>
      %dma_wait3A_916 = arith.constant 0 : i32
      %dma_wait3A_917 = tpu.memref_slice %arg4[%add3A_908, %dma_wait3A_916] : memref<3276800x128xf32, #tpu.memory_space<hbm>> -> memref<128x128xf32, #tpu.memory_space<hbm>>
      %dma_wait3A_918 = arith.constant 0 : i32
      %dma_wait3A_919 = arith.constant 0 : i32
      %dma_wait3A_920 = tpu.memref_slice %arg6[%dma_wait3A_909, %dma_wait3A_918, %dma_wait3A_919] : memref<4x128x128xf32, #tpu.memory_space<vmem>> -> memref<1x128x128xf32, #tpu.memory_space<vmem>>
      %dma_wait3A_921 = tpu.memref_squeeze %dma_wait3A_920 : memref<1x128x128xf32, #tpu.memory_space<vmem>> -> memref<128x128xf32, #tpu.memory_space<vmem>>
      tpu.wait_dma2 semaphore(%arg14 : memref<!tpu.dma_semaphore, #tpu.memory_space<semaphore_mem>>) src(%dma_wait3A_921 : memref<128x128xf32, #tpu.memory_space<vmem>>) dst(%dma_wait3A_917 : memref<128x128xf32, #tpu.memory_space<hbm>>)
      %add3A_922 = arith.constant 1 : i32
      %add3A_923 = arith.addi %add3A_903, %add3A_922 : i32
      %dma_start3A_924 = arith.constant 0 : i32
      %dma_start3A_925 = arith.constant 2 : i32
      %dma_start3A_926 = arith.constant 0 : i32
      %dma_start3A_927 = arith.constant 0 : i32
      %dma_start3A_928 = tpu.memref_slice %arg6[%dma_start3A_925, %dma_start3A_926, %dma_start3A_927] : memref<4x128x128xf32, #tpu.memory_space<vmem>> -> memref<1x128x128xf32, #tpu.memory_space<vmem>>
      %dma_start3A_929 = tpu.memref_squeeze %dma_start3A_928 : memref<1x128x128xf32, #tpu.memory_space<vmem>> -> memref<128x128xf32, #tpu.memory_space<vmem>>
      %dma_start3A_930 = arith.constant 0 : i32
      %dma_start3A_931 = arith.constant 0 : i32
      %dma_start3A_932 = tpu.memref_slice %arg5[%add3A_923, %dma_start3A_930, %dma_start3A_931] : memref<400x1x128xi32, #tpu.memory_space<vmem>> -> memref<1x1x128xi32, #tpu.memory_space<vmem>>
      %dma_start3A_933 = tpu.memref_squeeze %dma_start3A_932 : memref<1x1x128xi32, #tpu.memory_space<vmem>> -> memref<1x128xi32, #tpu.memory_space<vmem>>
      %dma_start3A_934 = arith.constant 0 : i32
      %dma_start3A_935 = tpu.memref_slice %dma_start3A_933[%dma_start3A_924, %dma_start3A_934] : memref<1x128xi32, #tpu.memory_space<vmem>> -> memref<1x128xi32, #tpu.memory_space<vmem>>
      %dma_start3A_936 = tpu.memref_squeeze %dma_start3A_935 : memref<1x128xi32, #tpu.memory_space<vmem>> -> memref<128xi32, #tpu.memory_space<vmem>>
      %dma_start3A_937 = arith.constant 0 : i32
      %dma_start3A_938 = arith.constant 0 : i32
      %dma_start3A_939 = tpu.memref_slice %arg7[%dma_start3A_937, %dma_start3A_938] : memref<100x128xf32, #tpu.memory_space<vmem_shared>> -> memref<100x128xf32, #tpu.memory_space<vmem_shared>>
      tpu.enqueue_indirect_dma source(%dma_start3A_939 : memref<100x128xf32, #tpu.memory_space<vmem_shared>>) target(%dma_start3A_929 : memref<128x128xf32, #tpu.memory_space<vmem>>) offsets(%dma_start3A_936 : memref<128xi32, #tpu.memory_space<vmem>>) semaphore(%arg10 : memref<!tpu.dma_semaphore, #tpu.memory_space<semaphore_mem>>)
      %dma_wait3A_940 = arith.constant 0 : i32
      %dma_wait3A_941 = arith.constant 1 : i32
      %dma_wait3A_942 = arith.constant 0 : i32
      %dma_wait3A_943 = arith.constant 0 : i32
      %dma_wait3A_944 = tpu.memref_slice %arg6[%dma_wait3A_941, %dma_wait3A_942, %dma_wait3A_943] : memref<4x128x128xf32, #tpu.memory_space<vmem>> -> memref<1x128x128xf32, #tpu.memory_space<vmem>>
      %dma_wait3A_945 = tpu.memref_squeeze %dma_wait3A_944 : memref<1x128x128xf32, #tpu.memory_space<vmem>> -> memref<128x128xf32, #tpu.memory_space<vmem>>
      %dma_wait3A_946 = arith.constant 0 : i32
      %dma_wait3A_947 = arith.constant 0 : i32
      %dma_wait3A_948 = tpu.memref_slice %arg5[%add3A_903, %dma_wait3A_946, %dma_wait3A_947] : memref<400x1x128xi32, #tpu.memory_space<vmem>> -> memref<1x1x128xi32, #tpu.memory_space<vmem>>
      %dma_wait3A_949 = tpu.memref_squeeze %dma_wait3A_948 : memref<1x1x128xi32, #tpu.memory_space<vmem>> -> memref<1x128xi32, #tpu.memory_space<vmem>>
      %dma_wait3A_950 = arith.constant 0 : i32
      %dma_wait3A_951 = tpu.memref_slice %dma_wait3A_949[%dma_wait3A_940, %dma_wait3A_950] : memref<1x128xi32, #tpu.memory_space<vmem>> -> memref<1x128xi32, #tpu.memory_space<vmem>>
      %dma_wait3A_952 = tpu.memref_squeeze %dma_wait3A_951 : memref<1x128xi32, #tpu.memory_space<vmem>> -> memref<128xi32, #tpu.memory_space<vmem>>
      %dma_wait3A_953 = arith.constant 0 : i32
      %dma_wait3A_954 = arith.constant 0 : i32
      %dma_wait3A_955 = tpu.memref_slice %arg7[%dma_wait3A_953, %dma_wait3A_954] : memref<100x128xf32, #tpu.memory_space<vmem_shared>> -> memref<100x128xf32, #tpu.memory_space<vmem_shared>>
      tpu.wait_indirect_dma semaphore(%arg9 : memref<!tpu.dma_semaphore, #tpu.memory_space<semaphore_mem>>) src(%dma_wait3A_955 : memref<100x128xf32, #tpu.memory_space<vmem_shared>>) dst(%dma_wait3A_945 : memref<128x128xf32, #tpu.memory_space<vmem>>)
      %mul3A_956 = arith.constant 128 : i32
      %mul3A_957 = arith.muli %add3A_899, %mul3A_956 : i32
      %add3A_958 = arith.addi %mul3A_2, %mul3A_957 : i32
      %dma_start3A_959 = arith.constant 1 : i32
      %dma_start3A_960 = arith.constant 0 : i32
      %dma_start3A_961 = arith.constant 0 : i32
      %dma_start3A_962 = tpu.memref_slice %arg6[%dma_start3A_959, %dma_start3A_960, %dma_start3A_961] : memref<4x128x128xf32, #tpu.memory_space<vmem>> -> memref<1x128x128xf32, #tpu.memory_space<vmem>>
      %dma_start3A_963 = tpu.memref_squeeze %dma_start3A_962 : memref<1x128x128xf32, #tpu.memory_space<vmem>> -> memref<128x128xf32, #tpu.memory_space<vmem>>
      %dma_start3A_964 = arith.constant 0 : i32
      %dma_start3A_965 = tpu.memref_slice %arg4[%add3A_958, %dma_start3A_964] : memref<3276800x128xf32, #tpu.memory_space<hbm>> -> memref<128x128xf32, #tpu.memory_space<hbm>>
      %dma_start3A_966 = arith.constant 0 : i32
      %dma_start3A_967 = tpu.memref_slice %arg4[%add3A_958, %dma_start3A_966] : memref<3276800x128xf32, #tpu.memory_space<hbm>> -> memref<128x128xf32, #tpu.memory_space<hbm>>
      %dma_start3A_968 = arith.constant 0 : i32
      %dma_start3A_969 = arith.constant 0 : i32
      %dma_start3A_970 = tpu.memref_slice %arg6[%dma_start3A_959, %dma_start3A_968, %dma_start3A_969] : memref<4x128x128xf32, #tpu.memory_space<vmem>> -> memref<1x128x128xf32, #tpu.memory_space<vmem>>
      %dma_start3A_971 = tpu.memref_squeeze %dma_start3A_970 : memref<1x128x128xf32, #tpu.memory_space<vmem>> -> memref<128x128xf32, #tpu.memory_space<vmem>>
      tpu.enqueue_dma source(%dma_start3A_971 : memref<128x128xf32, #tpu.memory_space<vmem>>) target(%dma_start3A_967 : memref<128x128xf32, #tpu.memory_space<hbm>>) target_semaphore(%arg13 : memref<!tpu.dma_semaphore, #tpu.memory_space<semaphore_mem>>)
      %add3A_972 = arith.constant 2 : i32
      %add3A_973 = arith.addi %add3A_823, %add3A_972 : i32
      %mul3A_974 = arith.constant 4 : i32
      %mul3A_975 = arith.muli %mul3A_974, %scan3A_819 : i32
      %add3A_976 = arith.constant 2 : i32
      %add3A_977 = arith.addi %mul3A_975, %add3A_976 : i32
      %sub3A_978 = arith.constant 3 : i32
      %sub3A_979 = arith.subi %add3A_973, %sub3A_978 : i32
      %mul3A_980 = arith.constant 128 : i32
      %mul3A_981 = arith.muli %sub3A_979, %mul3A_980 : i32
      %add3A_982 = arith.addi %mul3A_2, %mul3A_981 : i32
      %dma_wait3A_983 = arith.constant 3 : i32
      %dma_wait3A_984 = arith.constant 0 : i32
      %dma_wait3A_985 = arith.constant 0 : i32
      %dma_wait3A_986 = tpu.memref_slice %arg6[%dma_wait3A_983, %dma_wait3A_984, %dma_wait3A_985] : memref<4x128x128xf32, #tpu.memory_space<vmem>> -> memref<1x128x128xf32, #tpu.memory_space<vmem>>
      %dma_wait3A_987 = tpu.memref_squeeze %dma_wait3A_986 : memref<1x128x128xf32, #tpu.memory_space<vmem>> -> memref<128x128xf32, #tpu.memory_space<vmem>>
      %dma_wait3A_988 = arith.constant 0 : i32
      %dma_wait3A_989 = tpu.memref_slice %arg4[%add3A_982, %dma_wait3A_988] : memref<3276800x128xf32, #tpu.memory_space<hbm>> -> memref<128x128xf32, #tpu.memory_space<hbm>>
      %dma_wait3A_990 = arith.constant 0 : i32
      %dma_wait3A_991 = tpu.memref_slice %arg4[%add3A_982, %dma_wait3A_990] : memref<3276800x128xf32, #tpu.memory_space<hbm>> -> memref<128x128xf32, #tpu.memory_space<hbm>>
      %dma_wait3A_992 = arith.constant 0 : i32
      %dma_wait3A_993 = arith.constant 0 : i32
      %dma_wait3A_994 = tpu.memref_slice %arg6[%dma_wait3A_983, %dma_wait3A_992, %dma_wait3A_993] : memref<4x128x128xf32, #tpu.memory_space<vmem>> -> memref<1x128x128xf32, #tpu.memory_space<vmem>>
      %dma_wait3A_995 = tpu.memref_squeeze %dma_wait3A_994 : memref<1x128x128xf32, #tpu.memory_space<vmem>> -> memref<128x128xf32, #tpu.memory_space<vmem>>
      tpu.wait_dma2 semaphore(%arg15 : memref<!tpu.dma_semaphore, #tpu.memory_space<semaphore_mem>>) src(%dma_wait3A_995 : memref<128x128xf32, #tpu.memory_space<vmem>>) dst(%dma_wait3A_991 : memref<128x128xf32, #tpu.memory_space<hbm>>)
      %add3A_996 = arith.constant 1 : i32
      %add3A_997 = arith.addi %add3A_977, %add3A_996 : i32
      %dma_start3A_998 = arith.constant 0 : i32
      %dma_start3A_999 = arith.constant 3 : i32
      %dma_start3A_1000 = arith.constant 0 : i32
      %dma_start3A_1001 = arith.constant 0 : i32
      %dma_start3A_1002 = tpu.memref_slice %arg6[%dma_start3A_999, %dma_start3A_1000, %dma_start3A_1001] : memref<4x128x128xf32, #tpu.memory_space<vmem>> -> memref<1x128x128xf32, #tpu.memory_space<vmem>>
      %dma_start3A_1003 = tpu.memref_squeeze %dma_start3A_1002 : memref<1x128x128xf32, #tpu.memory_space<vmem>> -> memref<128x128xf32, #tpu.memory_space<vmem>>
      %dma_start3A_1004 = arith.constant 0 : i32
      %dma_start3A_1005 = arith.constant 0 : i32
      %dma_start3A_1006 = tpu.memref_slice %arg5[%add3A_997, %dma_start3A_1004, %dma_start3A_1005] : memref<400x1x128xi32, #tpu.memory_space<vmem>> -> memref<1x1x128xi32, #tpu.memory_space<vmem>>
      %dma_start3A_1007 = tpu.memref_squeeze %dma_start3A_1006 : memref<1x1x128xi32, #tpu.memory_space<vmem>> -> memref<1x128xi32, #tpu.memory_space<vmem>>
      %dma_start3A_1008 = arith.constant 0 : i32
      %dma_start3A_1009 = tpu.memref_slice %dma_start3A_1007[%dma_start3A_998, %dma_start3A_1008] : memref<1x128xi32, #tpu.memory_space<vmem>> -> memref<1x128xi32, #tpu.memory_space<vmem>>
      %dma_start3A_1010 = tpu.memref_squeeze %dma_start3A_1009 : memref<1x128xi32, #tpu.memory_space<vmem>> -> memref<128xi32, #tpu.memory_space<vmem>>
      %dma_start3A_1011 = arith.constant 0 : i32
      %dma_start3A_1012 = arith.constant 0 : i32
      %dma_start3A_1013 = tpu.memref_slice %arg7[%dma_start3A_1011, %dma_start3A_1012] : memref<100x128xf32, #tpu.memory_space<vmem_shared>> -> memref<100x128xf32, #tpu.memory_space<vmem_shared>>
      tpu.enqueue_indirect_dma source(%dma_start3A_1013 : memref<100x128xf32, #tpu.memory_space<vmem_shared>>) target(%dma_start3A_1003 : memref<128x128xf32, #tpu.memory_space<vmem>>) offsets(%dma_start3A_1010 : memref<128xi32, #tpu.memory_space<vmem>>) semaphore(%arg11 : memref<!tpu.dma_semaphore, #tpu.memory_space<semaphore_mem>>)
      %dma_wait3A_1014 = arith.constant 0 : i32
      %dma_wait3A_1015 = arith.constant 2 : i32
      %dma_wait3A_1016 = arith.constant 0 : i32
      %dma_wait3A_1017 = arith.constant 0 : i32
      %dma_wait3A_1018 = tpu.memref_slice %arg6[%dma_wait3A_1015, %dma_wait3A_1016, %dma_wait3A_1017] : memref<4x128x128xf32, #tpu.memory_space<vmem>> -> memref<1x128x128xf32, #tpu.memory_space<vmem>>
      %dma_wait3A_1019 = tpu.memref_squeeze %dma_wait3A_1018 : memref<1x128x128xf32, #tpu.memory_space<vmem>> -> memref<128x128xf32, #tpu.memory_space<vmem>>
      %dma_wait3A_1020 = arith.constant 0 : i32
      %dma_wait3A_1021 = arith.constant 0 : i32
      %dma_wait3A_1022 = tpu.memref_slice %arg5[%add3A_977, %dma_wait3A_1020, %dma_wait3A_1021] : memref<400x1x128xi32, #tpu.memory_space<vmem>> -> memref<1x1x128xi32, #tpu.memory_space<vmem>>
      %dma_wait3A_1023 = tpu.memref_squeeze %dma_wait3A_1022 : memref<1x1x128xi32, #tpu.memory_space<vmem>> -> memref<1x128xi32, #tpu.memory_space<vmem>>
      %dma_wait3A_1024 = arith.constant 0 : i32
      %dma_wait3A_1025 = tpu.memref_slice %dma_wait3A_1023[%dma_wait3A_1014, %dma_wait3A_1024] : memref<1x128xi32, #tpu.memory_space<vmem>> -> memref<1x128xi32, #tpu.memory_space<vmem>>
      %dma_wait3A_1026 = tpu.memref_squeeze %dma_wait3A_1025 : memref<1x128xi32, #tpu.memory_space<vmem>> -> memref<128xi32, #tpu.memory_space<vmem>>
      %dma_wait3A_1027 = arith.constant 0 : i32
      %dma_wait3A_1028 = arith.constant 0 : i32
      %dma_wait3A_1029 = tpu.memref_slice %arg7[%dma_wait3A_1027, %dma_wait3A_1028] : memref<100x128xf32, #tpu.memory_space<vmem_shared>> -> memref<100x128xf32, #tpu.memory_space<vmem_shared>>
      tpu.wait_indirect_dma semaphore(%arg10 : memref<!tpu.dma_semaphore, #tpu.memory_space<semaphore_mem>>) src(%dma_wait3A_1029 : memref<100x128xf32, #tpu.memory_space<vmem_shared>>) dst(%dma_wait3A_1019 : memref<128x128xf32, #tpu.memory_space<vmem>>)
      %mul3A_1030 = arith.constant 128 : i32
      %mul3A_1031 = arith.muli %add3A_973, %mul3A_1030 : i32
      %add3A_1032 = arith.addi %mul3A_2, %mul3A_1031 : i32
      %dma_start3A_1033 = arith.constant 2 : i32
      %dma_start3A_1034 = arith.constant 0 : i32
      %dma_start3A_1035 = arith.constant 0 : i32
      %dma_start3A_1036 = tpu.memref_slice %arg6[%dma_start3A_1033, %dma_start3A_1034, %dma_start3A_1035] : memref<4x128x128xf32, #tpu.memory_space<vmem>> -> memref<1x128x128xf32, #tpu.memory_space<vmem>>
      %dma_start3A_1037 = tpu.memref_squeeze %dma_start3A_1036 : memref<1x128x128xf32, #tpu.memory_space<vmem>> -> memref<128x128xf32, #tpu.memory_space<vmem>>
      %dma_start3A_1038 = arith.constant 0 : i32
      %dma_start3A_1039 = tpu.memref_slice %arg4[%add3A_1032, %dma_start3A_1038] : memref<3276800x128xf32, #tpu.memory_space<hbm>> -> memref<128x128xf32, #tpu.memory_space<hbm>>
      %dma_start3A_1040 = arith.constant 0 : i32
      %dma_start3A_1041 = tpu.memref_slice %arg4[%add3A_1032, %dma_start3A_1040] : memref<3276800x128xf32, #tpu.memory_space<hbm>> -> memref<128x128xf32, #tpu.memory_space<hbm>>
      %dma_start3A_1042 = arith.constant 0 : i32
      %dma_start3A_1043 = arith.constant 0 : i32
      %dma_start3A_1044 = tpu.memref_slice %arg6[%dma_start3A_1033, %dma_start3A_1042, %dma_start3A_1043] : memref<4x128x128xf32, #tpu.memory_space<vmem>> -> memref<1x128x128xf32, #tpu.memory_space<vmem>>
      %dma_start3A_1045 = tpu.memref_squeeze %dma_start3A_1044 : memref<1x128x128xf32, #tpu.memory_space<vmem>> -> memref<128x128xf32, #tpu.memory_space<vmem>>
      tpu.enqueue_dma source(%dma_start3A_1045 : memref<128x128xf32, #tpu.memory_space<vmem>>) target(%dma_start3A_1041 : memref<128x128xf32, #tpu.memory_space<hbm>>) target_semaphore(%arg14 : memref<!tpu.dma_semaphore, #tpu.memory_space<semaphore_mem>>)
      %add3A_1046 = arith.constant 3 : i32
      %add3A_1047 = arith.addi %add3A_823, %add3A_1046 : i32
      %mul3A_1048 = arith.constant 4 : i32
      %mul3A_1049 = arith.muli %mul3A_1048, %scan3A_819 : i32
      %add3A_1050 = arith.constant 3 : i32
      %add3A_1051 = arith.addi %mul3A_1049, %add3A_1050 : i32
      %sub3A_1052 = arith.constant 3 : i32
      %sub3A_1053 = arith.subi %add3A_1047, %sub3A_1052 : i32
      %mul3A_1054 = arith.constant 128 : i32
      %mul3A_1055 = arith.muli %sub3A_1053, %mul3A_1054 : i32
      %add3A_1056 = arith.addi %mul3A_2, %mul3A_1055 : i32
      %dma_wait3A_1057 = arith.constant 0 : i32
      %dma_wait3A_1058 = arith.constant 0 : i32
      %dma_wait3A_1059 = arith.constant 0 : i32
      %dma_wait3A_1060 = tpu.memref_slice %arg6[%dma_wait3A_1057, %dma_wait3A_1058, %dma_wait3A_1059] : memref<4x128x128xf32, #tpu.memory_space<vmem>> -> memref<1x128x128xf32, #tpu.memory_space<vmem>>
      %dma_wait3A_1061 = tpu.memref_squeeze %dma_wait3A_1060 : memref<1x128x128xf32, #tpu.memory_space<vmem>> -> memref<128x128xf32, #tpu.memory_space<vmem>>
      %dma_wait3A_1062 = arith.constant 0 : i32
      %dma_wait3A_1063 = tpu.memref_slice %arg4[%add3A_1056, %dma_wait3A_1062] : memref<3276800x128xf32, #tpu.memory_space<hbm>> -> memref<128x128xf32, #tpu.memory_space<hbm>>
      %dma_wait3A_1064 = arith.constant 0 : i32
      %dma_wait3A_1065 = tpu.memref_slice %arg4[%add3A_1056, %dma_wait3A_1064] : memref<3276800x128xf32, #tpu.memory_space<hbm>> -> memref<128x128xf32, #tpu.memory_space<hbm>>
      %dma_wait3A_1066 = arith.constant 0 : i32
      %dma_wait3A_1067 = arith.constant 0 : i32
      %dma_wait3A_1068 = tpu.memref_slice %arg6[%dma_wait3A_1057, %dma_wait3A_1066, %dma_wait3A_1067] : memref<4x128x128xf32, #tpu.memory_space<vmem>> -> memref<1x128x128xf32, #tpu.memory_space<vmem>>
      %dma_wait3A_1069 = tpu.memref_squeeze %dma_wait3A_1068 : memref<1x128x128xf32, #tpu.memory_space<vmem>> -> memref<128x128xf32, #tpu.memory_space<vmem>>
      tpu.wait_dma2 semaphore(%arg12 : memref<!tpu.dma_semaphore, #tpu.memory_space<semaphore_mem>>) src(%dma_wait3A_1069 : memref<128x128xf32, #tpu.memory_space<vmem>>) dst(%dma_wait3A_1065 : memref<128x128xf32, #tpu.memory_space<hbm>>)
      %add3A_1070 = arith.constant 1 : i32
      %add3A_1071 = arith.addi %add3A_1051, %add3A_1070 : i32
      %dma_start3A_1072 = arith.constant 0 : i32
      %dma_start3A_1073 = arith.constant 0 : i32
      %dma_start3A_1074 = arith.constant 0 : i32
      %dma_start3A_1075 = arith.constant 0 : i32
      %dma_start3A_1076 = tpu.memref_slice %arg6[%dma_start3A_1073, %dma_start3A_1074, %dma_start3A_1075] : memref<4x128x128xf32, #tpu.memory_space<vmem>> -> memref<1x128x128xf32, #tpu.memory_space<vmem>>
      %dma_start3A_1077 = tpu.memref_squeeze %dma_start3A_1076 : memref<1x128x128xf32, #tpu.memory_space<vmem>> -> memref<128x128xf32, #tpu.memory_space<vmem>>
      %dma_start3A_1078 = arith.constant 0 : i32
      %dma_start3A_1079 = arith.constant 0 : i32
      %dma_start3A_1080 = tpu.memref_slice %arg5[%add3A_1071, %dma_start3A_1078, %dma_start3A_1079] : memref<400x1x128xi32, #tpu.memory_space<vmem>> -> memref<1x1x128xi32, #tpu.memory_space<vmem>>
      %dma_start3A_1081 = tpu.memref_squeeze %dma_start3A_1080 : memref<1x1x128xi32, #tpu.memory_space<vmem>> -> memref<1x128xi32, #tpu.memory_space<vmem>>
      %dma_start3A_1082 = arith.constant 0 : i32
      %dma_start3A_1083 = tpu.memref_slice %dma_start3A_1081[%dma_start3A_1072, %dma_start3A_1082] : memref<1x128xi32, #tpu.memory_space<vmem>> -> memref<1x128xi32, #tpu.memory_space<vmem>>
      %dma_start3A_1084 = tpu.memref_squeeze %dma_start3A_1083 : memref<1x128xi32, #tpu.memory_space<vmem>> -> memref<128xi32, #tpu.memory_space<vmem>>
      %dma_start3A_1085 = arith.constant 0 : i32
      %dma_start3A_1086 = arith.constant 0 : i32
      %dma_start3A_1087 = tpu.memref_slice %arg7[%dma_start3A_1085, %dma_start3A_1086] : memref<100x128xf32, #tpu.memory_space<vmem_shared>> -> memref<100x128xf32, #tpu.memory_space<vmem_shared>>
      tpu.enqueue_indirect_dma source(%dma_start3A_1087 : memref<100x128xf32, #tpu.memory_space<vmem_shared>>) target(%dma_start3A_1077 : memref<128x128xf32, #tpu.memory_space<vmem>>) offsets(%dma_start3A_1084 : memref<128xi32, #tpu.memory_space<vmem>>) semaphore(%arg8 : memref<!tpu.dma_semaphore, #tpu.memory_space<semaphore_mem>>)
      %dma_wait3A_1088 = arith.constant 0 : i32
      %dma_wait3A_1089 = arith.constant 3 : i32
      %dma_wait3A_1090 = arith.constant 0 : i32
      %dma_wait3A_1091 = arith.constant 0 : i32
      %dma_wait3A_1092 = tpu.memref_slice %arg6[%dma_wait3A_1089, %dma_wait3A_1090, %dma_wait3A_1091] : memref<4x128x128xf32, #tpu.memory_space<vmem>> -> memref<1x128x128xf32, #tpu.memory_space<vmem>>
      %dma_wait3A_1093 = tpu.memref_squeeze %dma_wait3A_1092 : memref<1x128x128xf32, #tpu.memory_space<vmem>> -> memref<128x128xf32, #tpu.memory_space<vmem>>
      %dma_wait3A_1094 = arith.constant 0 : i32
      %dma_wait3A_1095 = arith.constant 0 : i32
      %dma_wait3A_1096 = tpu.memref_slice %arg5[%add3A_1051, %dma_wait3A_1094, %dma_wait3A_1095] : memref<400x1x128xi32, #tpu.memory_space<vmem>> -> memref<1x1x128xi32, #tpu.memory_space<vmem>>
      %dma_wait3A_1097 = tpu.memref_squeeze %dma_wait3A_1096 : memref<1x1x128xi32, #tpu.memory_space<vmem>> -> memref<1x128xi32, #tpu.memory_space<vmem>>
      %dma_wait3A_1098 = arith.constant 0 : i32
      %dma_wait3A_1099 = tpu.memref_slice %dma_wait3A_1097[%dma_wait3A_1088, %dma_wait3A_1098] : memref<1x128xi32, #tpu.memory_space<vmem>> -> memref<1x128xi32, #tpu.memory_space<vmem>>
      %dma_wait3A_1100 = tpu.memref_squeeze %dma_wait3A_1099 : memref<1x128xi32, #tpu.memory_space<vmem>> -> memref<128xi32, #tpu.memory_space<vmem>>
      %dma_wait3A_1101 = arith.constant 0 : i32
      %dma_wait3A_1102 = arith.constant 0 : i32
      %dma_wait3A_1103 = tpu.memref_slice %arg7[%dma_wait3A_1101, %dma_wait3A_1102] : memref<100x128xf32, #tpu.memory_space<vmem_shared>> -> memref<100x128xf32, #tpu.memory_space<vmem_shared>>
      tpu.wait_indirect_dma semaphore(%arg11 : memref<!tpu.dma_semaphore, #tpu.memory_space<semaphore_mem>>) src(%dma_wait3A_1103 : memref<100x128xf32, #tpu.memory_space<vmem_shared>>) dst(%dma_wait3A_1093 : memref<128x128xf32, #tpu.memory_space<vmem>>)
      %mul3A_1104 = arith.constant 128 : i32
      %mul3A_1105 = arith.muli %add3A_1047, %mul3A_1104 : i32
      %add3A_1106 = arith.addi %mul3A_2, %mul3A_1105 : i32
      %dma_start3A_1107 = arith.constant 3 : i32
      %dma_start3A_1108 = arith.constant 0 : i32
      %dma_start3A_1109 = arith.constant 0 : i32
      %dma_start3A_1110 = tpu.memref_slice %arg6[%dma_start3A_1107, %dma_start3A_1108, %dma_start3A_1109] : memref<4x128x128xf32, #tpu.memory_space<vmem>> -> memref<1x128x128xf32, #tpu.memory_space<vmem>>
      %dma_start3A_1111 = tpu.memref_squeeze %dma_start3A_1110 : memref<1x128x128xf32, #tpu.memory_space<vmem>> -> memref<128x128xf32, #tpu.memory_space<vmem>>
      %dma_start3A_1112 = arith.constant 0 : i32
      %dma_start3A_1113 = tpu.memref_slice %arg4[%add3A_1106, %dma_start3A_1112] : memref<3276800x128xf32, #tpu.memory_space<hbm>> -> memref<128x128xf32, #tpu.memory_space<hbm>>
      %dma_start3A_1114 = arith.constant 0 : i32
      %dma_start3A_1115 = tpu.memref_slice %arg4[%add3A_1106, %dma_start3A_1114] : memref<3276800x128xf32, #tpu.memory_space<hbm>> -> memref<128x128xf32, #tpu.memory_space<hbm>>
      %dma_start3A_1116 = arith.constant 0 : i32
      %dma_start3A_1117 = arith.constant 0 : i32
      %dma_start3A_1118 = tpu.memref_slice %arg6[%dma_start3A_1107, %dma_start3A_1116, %dma_start3A_1117] : memref<4x128x128xf32, #tpu.memory_space<vmem>> -> memref<1x128x128xf32, #tpu.memory_space<vmem>>
      %dma_start3A_1119 = tpu.memref_squeeze %dma_start3A_1118 : memref<1x128x128xf32, #tpu.memory_space<vmem>> -> memref<128x128xf32, #tpu.memory_space<vmem>>
      tpu.enqueue_dma source(%dma_start3A_1119 : memref<128x128xf32, #tpu.memory_space<vmem>>) target(%dma_start3A_1115 : memref<128x128xf32, #tpu.memory_space<hbm>>) target_semaphore(%arg15 : memref<!tpu.dma_semaphore, #tpu.memory_space<semaphore_mem>>)
    }
    %scan3A_239 = arith.constant 98 : i32
    %add3A_240 = arith.constant 50304 : i32
    %add3A_241 = arith.addi %mul3A_2, %add3A_240 : i32
    %dma_wait3A_242 = arith.constant 1 : i32
    %dma_wait3A_243 = arith.constant 0 : i32
    %dma_wait3A_244 = arith.constant 0 : i32
    %dma_wait3A_245 = tpu.memref_slice %arg6[%dma_wait3A_242, %dma_wait3A_243, %dma_wait3A_244] : memref<4x128x128xf32, #tpu.memory_space<vmem>> -> memref<1x128x128xf32, #tpu.memory_space<vmem>>
    %dma_wait3A_246 = tpu.memref_squeeze %dma_wait3A_245 : memref<1x128x128xf32, #tpu.memory_space<vmem>> -> memref<128x128xf32, #tpu.memory_space<vmem>>
    %dma_wait3A_247 = arith.constant 0 : i32
    %dma_wait3A_248 = tpu.memref_slice %arg4[%add3A_241, %dma_wait3A_247] : memref<3276800x128xf32, #tpu.memory_space<hbm>> -> memref<128x128xf32, #tpu.memory_space<hbm>>
    %dma_wait3A_249 = arith.constant 0 : i32
    %dma_wait3A_250 = tpu.memref_slice %arg4[%add3A_241, %dma_wait3A_249] : memref<3276800x128xf32, #tpu.memory_space<hbm>> -> memref<128x128xf32, #tpu.memory_space<hbm>>
    %dma_wait3A_251 = arith.constant 0 : i32
    %dma_wait3A_252 = arith.constant 0 : i32
    %dma_wait3A_253 = tpu.memref_slice %arg6[%dma_wait3A_242, %dma_wait3A_251, %dma_wait3A_252] : memref<4x128x128xf32, #tpu.memory_space<vmem>> -> memref<1x128x128xf32, #tpu.memory_space<vmem>>
    %dma_wait3A_254 = tpu.memref_squeeze %dma_wait3A_253 : memref<1x128x128xf32, #tpu.memory_space<vmem>> -> memref<128x128xf32, #tpu.memory_space<vmem>>
    tpu.wait_dma2 semaphore(%arg13 : memref<!tpu.dma_semaphore, #tpu.memory_space<semaphore_mem>>) src(%dma_wait3A_254 : memref<128x128xf32, #tpu.memory_space<vmem>>) dst(%dma_wait3A_250 : memref<128x128xf32, #tpu.memory_space<hbm>>)
    %dma_start3A_255 = arith.constant 397 : i32
    %dma_start3A_256 = arith.constant 0 : i32
    %dma_start3A_257 = arith.constant 1 : i32
    %dma_start3A_258 = arith.constant 0 : i32
    %dma_start3A_259 = arith.constant 0 : i32
    %dma_start3A_260 = tpu.memref_slice %arg6[%dma_start3A_257, %dma_start3A_258, %dma_start3A_259] : memref<4x128x128xf32, #tpu.memory_space<vmem>> -> memref<1x128x128xf32, #tpu.memory_space<vmem>>
    %dma_start3A_261 = tpu.memref_squeeze %dma_start3A_260 : memref<1x128x128xf32, #tpu.memory_space<vmem>> -> memref<128x128xf32, #tpu.memory_space<vmem>>
    %dma_start3A_262 = arith.constant 0 : i32
    %dma_start3A_263 = arith.constant 0 : i32
    %dma_start3A_264 = tpu.memref_slice %arg5[%dma_start3A_255, %dma_start3A_262, %dma_start3A_263] : memref<400x1x128xi32, #tpu.memory_space<vmem>> -> memref<1x1x128xi32, #tpu.memory_space<vmem>>
    %dma_start3A_265 = tpu.memref_squeeze %dma_start3A_264 : memref<1x1x128xi32, #tpu.memory_space<vmem>> -> memref<1x128xi32, #tpu.memory_space<vmem>>
    %dma_start3A_266 = arith.constant 0 : i32
    %dma_start3A_267 = tpu.memref_slice %dma_start3A_265[%dma_start3A_256, %dma_start3A_266] : memref<1x128xi32, #tpu.memory_space<vmem>> -> memref<1x128xi32, #tpu.memory_space<vmem>>
    %dma_start3A_268 = tpu.memref_squeeze %dma_start3A_267 : memref<1x128xi32, #tpu.memory_space<vmem>> -> memref<128xi32, #tpu.memory_space<vmem>>
    %dma_start3A_269 = arith.constant 0 : i32
    %dma_start3A_270 = arith.constant 0 : i32
    %dma_start3A_271 = tpu.memref_slice %arg7[%dma_start3A_269, %dma_start3A_270] : memref<100x128xf32, #tpu.memory_space<vmem_shared>> -> memref<100x128xf32, #tpu.memory_space<vmem_shared>>
    tpu.enqueue_indirect_dma source(%dma_start3A_271 : memref<100x128xf32, #tpu.memory_space<vmem_shared>>) target(%dma_start3A_261 : memref<128x128xf32, #tpu.memory_space<vmem>>) offsets(%dma_start3A_268 : memref<128xi32, #tpu.memory_space<vmem>>) semaphore(%arg9 : memref<!tpu.dma_semaphore, #tpu.memory_space<semaphore_mem>>)
    %dma_wait3A_272 = arith.constant 396 : i32
    %dma_wait3A_273 = arith.constant 0 : i32
    %dma_wait3A_274 = arith.constant 0 : i32
    %dma_wait3A_275 = arith.constant 0 : i32
    %dma_wait3A_276 = arith.constant 0 : i32
    %dma_wait3A_277 = tpu.memref_slice %arg6[%dma_wait3A_274, %dma_wait3A_275, %dma_wait3A_276] : memref<4x128x128xf32, #tpu.memory_space<vmem>> -> memref<1x128x128xf32, #tpu.memory_space<vmem>>
    %dma_wait3A_278 = tpu.memref_squeeze %dma_wait3A_277 : memref<1x128x128xf32, #tpu.memory_space<vmem>> -> memref<128x128xf32, #tpu.memory_space<vmem>>
    %dma_wait3A_279 = arith.constant 0 : i32
    %dma_wait3A_280 = arith.constant 0 : i32
    %dma_wait3A_281 = tpu.memref_slice %arg5[%dma_wait3A_272, %dma_wait3A_279, %dma_wait3A_280] : memref<400x1x128xi32, #tpu.memory_space<vmem>> -> memref<1x1x128xi32, #tpu.memory_space<vmem>>
    %dma_wait3A_282 = tpu.memref_squeeze %dma_wait3A_281 : memref<1x1x128xi32, #tpu.memory_space<vmem>> -> memref<1x128xi32, #tpu.memory_space<vmem>>
    %dma_wait3A_283 = arith.constant 0 : i32
    %dma_wait3A_284 = tpu.memref_slice %dma_wait3A_282[%dma_wait3A_273, %dma_wait3A_283] : memref<1x128xi32, #tpu.memory_space<vmem>> -> memref<1x128xi32, #tpu.memory_space<vmem>>
    %dma_wait3A_285 = tpu.memref_squeeze %dma_wait3A_284 : memref<1x128xi32, #tpu.memory_space<vmem>> -> memref<128xi32, #tpu.memory_space<vmem>>
    %dma_wait3A_286 = arith.constant 0 : i32
    %dma_wait3A_287 = arith.constant 0 : i32
    %dma_wait3A_288 = tpu.memref_slice %arg7[%dma_wait3A_286, %dma_wait3A_287] : memref<100x128xf32, #tpu.memory_space<vmem_shared>> -> memref<100x128xf32, #tpu.memory_space<vmem_shared>>
    tpu.wait_indirect_dma semaphore(%arg8 : memref<!tpu.dma_semaphore, #tpu.memory_space<semaphore_mem>>) src(%dma_wait3A_288 : memref<100x128xf32, #tpu.memory_space<vmem_shared>>) dst(%dma_wait3A_278 : memref<128x128xf32, #tpu.memory_space<vmem>>)
    %add3A_289 = arith.constant 50688 : i32
    %add3A_290 = arith.addi %mul3A_2, %add3A_289 : i32
    %dma_start3A_291 = arith.constant 0 : i32
    %dma_start3A_292 = arith.constant 0 : i32
    %dma_start3A_293 = arith.constant 0 : i32
    %dma_start3A_294 = tpu.memref_slice %arg6[%dma_start3A_291, %dma_start3A_292, %dma_start3A_293] : memref<4x128x128xf32, #tpu.memory_space<vmem>> -> memref<1x128x128xf32, #tpu.memory_space<vmem>>
    %dma_start3A_295 = tpu.memref_squeeze %dma_start3A_294 : memref<1x128x128xf32, #tpu.memory_space<vmem>> -> memref<128x128xf32, #tpu.memory_space<vmem>>
    %dma_start3A_296 = arith.constant 0 : i32
    %dma_start3A_297 = tpu.memref_slice %arg4[%add3A_290, %dma_start3A_296] : memref<3276800x128xf32, #tpu.memory_space<hbm>> -> memref<128x128xf32, #tpu.memory_space<hbm>>
    %dma_start3A_298 = arith.constant 0 : i32
    %dma_start3A_299 = tpu.memref_slice %arg4[%add3A_290, %dma_start3A_298] : memref<3276800x128xf32, #tpu.memory_space<hbm>> -> memref<128x128xf32, #tpu.memory_space<hbm>>
    %dma_start3A_300 = arith.constant 0 : i32
    %dma_start3A_301 = arith.constant 0 : i32
    %dma_start3A_302 = tpu.memref_slice %arg6[%dma_start3A_291, %dma_start3A_300, %dma_start3A_301] : memref<4x128x128xf32, #tpu.memory_space<vmem>> -> memref<1x128x128xf32, #tpu.memory_space<vmem>>
    %dma_start3A_303 = tpu.memref_squeeze %dma_start3A_302 : memref<1x128x128xf32, #tpu.memory_space<vmem>> -> memref<128x128xf32, #tpu.memory_space<vmem>>
    tpu.enqueue_dma source(%dma_start3A_303 : memref<128x128xf32, #tpu.memory_space<vmem>>) target(%dma_start3A_299 : memref<128x128xf32, #tpu.memory_space<hbm>>) target_semaphore(%arg12 : memref<!tpu.dma_semaphore, #tpu.memory_space<semaphore_mem>>)
    %add3A_304 = arith.constant 50432 : i32
    %add3A_305 = arith.addi %mul3A_2, %add3A_304 : i32
    %dma_wait3A_306 = arith.constant 2 : i32
    %dma_wait3A_307 = arith.constant 0 : i32
    %dma_wait3A_308 = arith.constant 0 : i32
    %dma_wait3A_309 = tpu.memref_slice %arg6[%dma_wait3A_306, %dma_wait3A_307, %dma_wait3A_308] : memref<4x128x128xf32, #tpu.memory_space<vmem>> -> memref<1x128x128xf32, #tpu.memory_space<vmem>>
    %dma_wait3A_310 = tpu.memref_squeeze %dma_wait3A_309 : memref<1x128x128xf32, #tpu.memory_space<vmem>> -> memref<128x128xf32, #tpu.memory_space<vmem>>
    %dma_wait3A_311 = arith.constant 0 : i32
    %dma_wait3A_312 = tpu.memref_slice %arg4[%add3A_305, %dma_wait3A_311] : memref<3276800x128xf32, #tpu.memory_space<hbm>> -> memref<128x128xf32, #tpu.memory_space<hbm>>
    %dma_wait3A_313 = arith.constant 0 : i32
    %dma_wait3A_314 = tpu.memref_slice %arg4[%add3A_305, %dma_wait3A_313] : memref<3276800x128xf32, #tpu.memory_space<hbm>> -> memref<128x128xf32, #tpu.memory_space<hbm>>
    %dma_wait3A_315 = arith.constant 0 : i32
    %dma_wait3A_316 = arith.constant 0 : i32
    %dma_wait3A_317 = tpu.memref_slice %arg6[%dma_wait3A_306, %dma_wait3A_315, %dma_wait3A_316] : memref<4x128x128xf32, #tpu.memory_space<vmem>> -> memref<1x128x128xf32, #tpu.memory_space<vmem>>
    %dma_wait3A_318 = tpu.memref_squeeze %dma_wait3A_317 : memref<1x128x128xf32, #tpu.memory_space<vmem>> -> memref<128x128xf32, #tpu.memory_space<vmem>>
    tpu.wait_dma2 semaphore(%arg14 : memref<!tpu.dma_semaphore, #tpu.memory_space<semaphore_mem>>) src(%dma_wait3A_318 : memref<128x128xf32, #tpu.memory_space<vmem>>) dst(%dma_wait3A_314 : memref<128x128xf32, #tpu.memory_space<hbm>>)
    %dma_start3A_319 = arith.constant 398 : i32
    %dma_start3A_320 = arith.constant 0 : i32
    %dma_start3A_321 = arith.constant 2 : i32
    %dma_start3A_322 = arith.constant 0 : i32
    %dma_start3A_323 = arith.constant 0 : i32
    %dma_start3A_324 = tpu.memref_slice %arg6[%dma_start3A_321, %dma_start3A_322, %dma_start3A_323] : memref<4x128x128xf32, #tpu.memory_space<vmem>> -> memref<1x128x128xf32, #tpu.memory_space<vmem>>
    %dma_start3A_325 = tpu.memref_squeeze %dma_start3A_324 : memref<1x128x128xf32, #tpu.memory_space<vmem>> -> memref<128x128xf32, #tpu.memory_space<vmem>>
    %dma_start3A_326 = arith.constant 0 : i32
    %dma_start3A_327 = arith.constant 0 : i32
    %dma_start3A_328 = tpu.memref_slice %arg5[%dma_start3A_319, %dma_start3A_326, %dma_start3A_327] : memref<400x1x128xi32, #tpu.memory_space<vmem>> -> memref<1x1x128xi32, #tpu.memory_space<vmem>>
    %dma_start3A_329 = tpu.memref_squeeze %dma_start3A_328 : memref<1x1x128xi32, #tpu.memory_space<vmem>> -> memref<1x128xi32, #tpu.memory_space<vmem>>
    %dma_start3A_330 = arith.constant 0 : i32
    %dma_start3A_331 = tpu.memref_slice %dma_start3A_329[%dma_start3A_320, %dma_start3A_330] : memref<1x128xi32, #tpu.memory_space<vmem>> -> memref<1x128xi32, #tpu.memory_space<vmem>>
    %dma_start3A_332 = tpu.memref_squeeze %dma_start3A_331 : memref<1x128xi32, #tpu.memory_space<vmem>> -> memref<128xi32, #tpu.memory_space<vmem>>
    %dma_start3A_333 = arith.constant 0 : i32
    %dma_start3A_334 = arith.constant 0 : i32
    %dma_start3A_335 = tpu.memref_slice %arg7[%dma_start3A_333, %dma_start3A_334] : memref<100x128xf32, #tpu.memory_space<vmem_shared>> -> memref<100x128xf32, #tpu.memory_space<vmem_shared>>
    tpu.enqueue_indirect_dma source(%dma_start3A_335 : memref<100x128xf32, #tpu.memory_space<vmem_shared>>) target(%dma_start3A_325 : memref<128x128xf32, #tpu.memory_space<vmem>>) offsets(%dma_start3A_332 : memref<128xi32, #tpu.memory_space<vmem>>) semaphore(%arg10 : memref<!tpu.dma_semaphore, #tpu.memory_space<semaphore_mem>>)
    %dma_wait3A_336 = arith.constant 397 : i32
    %dma_wait3A_337 = arith.constant 0 : i32
    %dma_wait3A_338 = arith.constant 1 : i32
    %dma_wait3A_339 = arith.constant 0 : i32
    %dma_wait3A_340 = arith.constant 0 : i32
    %dma_wait3A_341 = tpu.memref_slice %arg6[%dma_wait3A_338, %dma_wait3A_339, %dma_wait3A_340] : memref<4x128x128xf32, #tpu.memory_space<vmem>> -> memref<1x128x128xf32, #tpu.memory_space<vmem>>
    %dma_wait3A_342 = tpu.memref_squeeze %dma_wait3A_341 : memref<1x128x128xf32, #tpu.memory_space<vmem>> -> memref<128x128xf32, #tpu.memory_space<vmem>>
    %dma_wait3A_343 = arith.constant 0 : i32
    %dma_wait3A_344 = arith.constant 0 : i32
    %dma_wait3A_345 = tpu.memref_slice %arg5[%dma_wait3A_336, %dma_wait3A_343, %dma_wait3A_344] : memref<400x1x128xi32, #tpu.memory_space<vmem>> -> memref<1x1x128xi32, #tpu.memory_space<vmem>>
    %dma_wait3A_346 = tpu.memref_squeeze %dma_wait3A_345 : memref<1x1x128xi32, #tpu.memory_space<vmem>> -> memref<1x128xi32, #tpu.memory_space<vmem>>
    %dma_wait3A_347 = arith.constant 0 : i32
    %dma_wait3A_348 = tpu.memref_slice %dma_wait3A_346[%dma_wait3A_337, %dma_wait3A_347] : memref<1x128xi32, #tpu.memory_space<vmem>> -> memref<1x128xi32, #tpu.memory_space<vmem>>
    %dma_wait3A_349 = tpu.memref_squeeze %dma_wait3A_348 : memref<1x128xi32, #tpu.memory_space<vmem>> -> memref<128xi32, #tpu.memory_space<vmem>>
    %dma_wait3A_350 = arith.constant 0 : i32
    %dma_wait3A_351 = arith.constant 0 : i32
    %dma_wait3A_352 = tpu.memref_slice %arg7[%dma_wait3A_350, %dma_wait3A_351] : memref<100x128xf32, #tpu.memory_space<vmem_shared>> -> memref<100x128xf32, #tpu.memory_space<vmem_shared>>
    tpu.wait_indirect_dma semaphore(%arg9 : memref<!tpu.dma_semaphore, #tpu.memory_space<semaphore_mem>>) src(%dma_wait3A_352 : memref<100x128xf32, #tpu.memory_space<vmem_shared>>) dst(%dma_wait3A_342 : memref<128x128xf32, #tpu.memory_space<vmem>>)
    %add3A_353 = arith.constant 50816 : i32
    %add3A_354 = arith.addi %mul3A_2, %add3A_353 : i32
    %dma_start3A_355 = arith.constant 1 : i32
    %dma_start3A_356 = arith.constant 0 : i32
    %dma_start3A_357 = arith.constant 0 : i32
    %dma_start3A_358 = tpu.memref_slice %arg6[%dma_start3A_355, %dma_start3A_356, %dma_start3A_357] : memref<4x128x128xf32, #tpu.memory_space<vmem>> -> memref<1x128x128xf32, #tpu.memory_space<vmem>>
    %dma_start3A_359 = tpu.memref_squeeze %dma_start3A_358 : memref<1x128x128xf32, #tpu.memory_space<vmem>> -> memref<128x128xf32, #tpu.memory_space<vmem>>
    %dma_start3A_360 = arith.constant 0 : i32
    %dma_start3A_361 = tpu.memref_slice %arg4[%add3A_354, %dma_start3A_360] : memref<3276800x128xf32, #tpu.memory_space<hbm>> -> memref<128x128xf32, #tpu.memory_space<hbm>>
    %dma_start3A_362 = arith.constant 0 : i32
    %dma_start3A_363 = tpu.memref_slice %arg4[%add3A_354, %dma_start3A_362] : memref<3276800x128xf32, #tpu.memory_space<hbm>> -> memref<128x128xf32, #tpu.memory_space<hbm>>
    %dma_start3A_364 = arith.constant 0 : i32
    %dma_start3A_365 = arith.constant 0 : i32
    %dma_start3A_366 = tpu.memref_slice %arg6[%dma_start3A_355, %dma_start3A_364, %dma_start3A_365] : memref<4x128x128xf32, #tpu.memory_space<vmem>> -> memref<1x128x128xf32, #tpu.memory_space<vmem>>
    %dma_start3A_367 = tpu.memref_squeeze %dma_start3A_366 : memref<1x128x128xf32, #tpu.memory_space<vmem>> -> memref<128x128xf32, #tpu.memory_space<vmem>>
    tpu.enqueue_dma source(%dma_start3A_367 : memref<128x128xf32, #tpu.memory_space<vmem>>) target(%dma_start3A_363 : memref<128x128xf32, #tpu.memory_space<hbm>>) target_semaphore(%arg13 : memref<!tpu.dma_semaphore, #tpu.memory_space<semaphore_mem>>)
    %add3A_368 = arith.constant 50560 : i32
    %add3A_369 = arith.addi %mul3A_2, %add3A_368 : i32
    %dma_wait3A_370 = arith.constant 3 : i32
    %dma_wait3A_371 = arith.constant 0 : i32
    %dma_wait3A_372 = arith.constant 0 : i32
    %dma_wait3A_373 = tpu.memref_slice %arg6[%dma_wait3A_370, %dma_wait3A_371, %dma_wait3A_372] : memref<4x128x128xf32, #tpu.memory_space<vmem>> -> memref<1x128x128xf32, #tpu.memory_space<vmem>>
    %dma_wait3A_374 = tpu.memref_squeeze %dma_wait3A_373 : memref<1x128x128xf32, #tpu.memory_space<vmem>> -> memref<128x128xf32, #tpu.memory_space<vmem>>
    %dma_wait3A_375 = arith.constant 0 : i32
    %dma_wait3A_376 = tpu.memref_slice %arg4[%add3A_369, %dma_wait3A_375] : memref<3276800x128xf32, #tpu.memory_space<hbm>> -> memref<128x128xf32, #tpu.memory_space<hbm>>
    %dma_wait3A_377 = arith.constant 0 : i32
    %dma_wait3A_378 = tpu.memref_slice %arg4[%add3A_369, %dma_wait3A_377] : memref<3276800x128xf32, #tpu.memory_space<hbm>> -> memref<128x128xf32, #tpu.memory_space<hbm>>
    %dma_wait3A_379 = arith.constant 0 : i32
    %dma_wait3A_380 = arith.constant 0 : i32
    %dma_wait3A_381 = tpu.memref_slice %arg6[%dma_wait3A_370, %dma_wait3A_379, %dma_wait3A_380] : memref<4x128x128xf32, #tpu.memory_space<vmem>> -> memref<1x128x128xf32, #tpu.memory_space<vmem>>
    %dma_wait3A_382 = tpu.memref_squeeze %dma_wait3A_381 : memref<1x128x128xf32, #tpu.memory_space<vmem>> -> memref<128x128xf32, #tpu.memory_space<vmem>>
    tpu.wait_dma2 semaphore(%arg15 : memref<!tpu.dma_semaphore, #tpu.memory_space<semaphore_mem>>) src(%dma_wait3A_382 : memref<128x128xf32, #tpu.memory_space<vmem>>) dst(%dma_wait3A_378 : memref<128x128xf32, #tpu.memory_space<hbm>>)
    %dma_start3A_383 = arith.constant 399 : i32
    %dma_start3A_384 = arith.constant 0 : i32
    %dma_start3A_385 = arith.constant 3 : i32
    %dma_start3A_386 = arith.constant 0 : i32
    %dma_start3A_387 = arith.constant 0 : i32
    %dma_start3A_388 = tpu.memref_slice %arg6[%dma_start3A_385, %dma_start3A_386, %dma_start3A_387] : memref<4x128x128xf32, #tpu.memory_space<vmem>> -> memref<1x128x128xf32, #tpu.memory_space<vmem>>
    %dma_start3A_389 = tpu.memref_squeeze %dma_start3A_388 : memref<1x128x128xf32, #tpu.memory_space<vmem>> -> memref<128x128xf32, #tpu.memory_space<vmem>>
    %dma_start3A_390 = arith.constant 0 : i32
    %dma_start3A_391 = arith.constant 0 : i32
    %dma_start3A_392 = tpu.memref_slice %arg5[%dma_start3A_383, %dma_start3A_390, %dma_start3A_391] : memref<400x1x128xi32, #tpu.memory_space<vmem>> -> memref<1x1x128xi32, #tpu.memory_space<vmem>>
    %dma_start3A_393 = tpu.memref_squeeze %dma_start3A_392 : memref<1x1x128xi32, #tpu.memory_space<vmem>> -> memref<1x128xi32, #tpu.memory_space<vmem>>
    %dma_start3A_394 = arith.constant 0 : i32
    %dma_start3A_395 = tpu.memref_slice %dma_start3A_393[%dma_start3A_384, %dma_start3A_394] : memref<1x128xi32, #tpu.memory_space<vmem>> -> memref<1x128xi32, #tpu.memory_space<vmem>>
    %dma_start3A_396 = tpu.memref_squeeze %dma_start3A_395 : memref<1x128xi32, #tpu.memory_space<vmem>> -> memref<128xi32, #tpu.memory_space<vmem>>
    %dma_start3A_397 = arith.constant 0 : i32
    %dma_start3A_398 = arith.constant 0 : i32
    %dma_start3A_399 = tpu.memref_slice %arg7[%dma_start3A_397, %dma_start3A_398] : memref<100x128xf32, #tpu.memory_space<vmem_shared>> -> memref<100x128xf32, #tpu.memory_space<vmem_shared>>
    tpu.enqueue_indirect_dma source(%dma_start3A_399 : memref<100x128xf32, #tpu.memory_space<vmem_shared>>) target(%dma_start3A_389 : memref<128x128xf32, #tpu.memory_space<vmem>>) offsets(%dma_start3A_396 : memref<128xi32, #tpu.memory_space<vmem>>) semaphore(%arg11 : memref<!tpu.dma_semaphore, #tpu.memory_space<semaphore_mem>>)
    %dma_wait3A_400 = arith.constant 398 : i32
    %dma_wait3A_401 = arith.constant 0 : i32
    %dma_wait3A_402 = arith.constant 2 : i32
    %dma_wait3A_403 = arith.constant 0 : i32
    %dma_wait3A_404 = arith.constant 0 : i32
    %dma_wait3A_405 = tpu.memref_slice %arg6[%dma_wait3A_402, %dma_wait3A_403, %dma_wait3A_404] : memref<4x128x128xf32, #tpu.memory_space<vmem>> -> memref<1x128x128xf32, #tpu.memory_space<vmem>>
    %dma_wait3A_406 = tpu.memref_squeeze %dma_wait3A_405 : memref<1x128x128xf32, #tpu.memory_space<vmem>> -> memref<128x128xf32, #tpu.memory_space<vmem>>
    %dma_wait3A_407 = arith.constant 0 : i32
    %dma_wait3A_408 = arith.constant 0 : i32
    %dma_wait3A_409 = tpu.memref_slice %arg5[%dma_wait3A_400, %dma_wait3A_407, %dma_wait3A_408] : memref<400x1x128xi32, #tpu.memory_space<vmem>> -> memref<1x1x128xi32, #tpu.memory_space<vmem>>
    %dma_wait3A_410 = tpu.memref_squeeze %dma_wait3A_409 : memref<1x1x128xi32, #tpu.memory_space<vmem>> -> memref<1x128xi32, #tpu.memory_space<vmem>>
    %dma_wait3A_411 = arith.constant 0 : i32
    %dma_wait3A_412 = tpu.memref_slice %dma_wait3A_410[%dma_wait3A_401, %dma_wait3A_411] : memref<1x128xi32, #tpu.memory_space<vmem>> -> memref<1x128xi32, #tpu.memory_space<vmem>>
    %dma_wait3A_413 = tpu.memref_squeeze %dma_wait3A_412 : memref<1x128xi32, #tpu.memory_space<vmem>> -> memref<128xi32, #tpu.memory_space<vmem>>
    %dma_wait3A_414 = arith.constant 0 : i32
    %dma_wait3A_415 = arith.constant 0 : i32
    %dma_wait3A_416 = tpu.memref_slice %arg7[%dma_wait3A_414, %dma_wait3A_415] : memref<100x128xf32, #tpu.memory_space<vmem_shared>> -> memref<100x128xf32, #tpu.memory_space<vmem_shared>>
    tpu.wait_indirect_dma semaphore(%arg10 : memref<!tpu.dma_semaphore, #tpu.memory_space<semaphore_mem>>) src(%dma_wait3A_416 : memref<100x128xf32, #tpu.memory_space<vmem_shared>>) dst(%dma_wait3A_406 : memref<128x128xf32, #tpu.memory_space<vmem>>)
    %add3A_417 = arith.constant 50944 : i32
    %add3A_418 = arith.addi %mul3A_2, %add3A_417 : i32
    %dma_start3A_419 = arith.constant 2 : i32
    %dma_start3A_420 = arith.constant 0 : i32
    %dma_start3A_421 = arith.constant 0 : i32
    %dma_start3A_422 = tpu.memref_slice %arg6[%dma_start3A_419, %dma_start3A_420, %dma_start3A_421] : memref<4x128x128xf32, #tpu.memory_space<vmem>> -> memref<1x128x128xf32, #tpu.memory_space<vmem>>
    %dma_start3A_423 = tpu.memref_squeeze %dma_start3A_422 : memref<1x128x128xf32, #tpu.memory_space<vmem>> -> memref<128x128xf32, #tpu.memory_space<vmem>>
    %dma_start3A_424 = arith.constant 0 : i32
    %dma_start3A_425 = tpu.memref_slice %arg4[%add3A_418, %dma_start3A_424] : memref<3276800x128xf32, #tpu.memory_space<hbm>> -> memref<128x128xf32, #tpu.memory_space<hbm>>
    %dma_start3A_426 = arith.constant 0 : i32
    %dma_start3A_427 = tpu.memref_slice %arg4[%add3A_418, %dma_start3A_426] : memref<3276800x128xf32, #tpu.memory_space<hbm>> -> memref<128x128xf32, #tpu.memory_space<hbm>>
    %dma_start3A_428 = arith.constant 0 : i32
    %dma_start3A_429 = arith.constant 0 : i32
    %dma_start3A_430 = tpu.memref_slice %arg6[%dma_start3A_419, %dma_start3A_428, %dma_start3A_429] : memref<4x128x128xf32, #tpu.memory_space<vmem>> -> memref<1x128x128xf32, #tpu.memory_space<vmem>>
    %dma_start3A_431 = tpu.memref_squeeze %dma_start3A_430 : memref<1x128x128xf32, #tpu.memory_space<vmem>> -> memref<128x128xf32, #tpu.memory_space<vmem>>
    tpu.enqueue_dma source(%dma_start3A_431 : memref<128x128xf32, #tpu.memory_space<vmem>>) target(%dma_start3A_427 : memref<128x128xf32, #tpu.memory_space<hbm>>) target_semaphore(%arg14 : memref<!tpu.dma_semaphore, #tpu.memory_space<semaphore_mem>>)
    %add3A_432 = arith.constant 50688 : i32
    %add3A_433 = arith.addi %mul3A_2, %add3A_432 : i32
    %dma_wait3A_434 = arith.constant 0 : i32
    %dma_wait3A_435 = arith.constant 0 : i32
    %dma_wait3A_436 = arith.constant 0 : i32
    %dma_wait3A_437 = tpu.memref_slice %arg6[%dma_wait3A_434, %dma_wait3A_435, %dma_wait3A_436] : memref<4x128x128xf32, #tpu.memory_space<vmem>> -> memref<1x128x128xf32, #tpu.memory_space<vmem>>
    %dma_wait3A_438 = tpu.memref_squeeze %dma_wait3A_437 : memref<1x128x128xf32, #tpu.memory_space<vmem>> -> memref<128x128xf32, #tpu.memory_space<vmem>>
    %dma_wait3A_439 = arith.constant 0 : i32
    %dma_wait3A_440 = tpu.memref_slice %arg4[%add3A_433, %dma_wait3A_439] : memref<3276800x128xf32, #tpu.memory_space<hbm>> -> memref<128x128xf32, #tpu.memory_space<hbm>>
    %dma_wait3A_441 = arith.constant 0 : i32
    %dma_wait3A_442 = tpu.memref_slice %arg4[%add3A_433, %dma_wait3A_441] : memref<3276800x128xf32, #tpu.memory_space<hbm>> -> memref<128x128xf32, #tpu.memory_space<hbm>>
    %dma_wait3A_443 = arith.constant 0 : i32
    %dma_wait3A_444 = arith.constant 0 : i32
    %dma_wait3A_445 = tpu.memref_slice %arg6[%dma_wait3A_434, %dma_wait3A_443, %dma_wait3A_444] : memref<4x128x128xf32, #tpu.memory_space<vmem>> -> memref<1x128x128xf32, #tpu.memory_space<vmem>>
    %dma_wait3A_446 = tpu.memref_squeeze %dma_wait3A_445 : memref<1x128x128xf32, #tpu.memory_space<vmem>> -> memref<128x128xf32, #tpu.memory_space<vmem>>
    tpu.wait_dma2 semaphore(%arg12 : memref<!tpu.dma_semaphore, #tpu.memory_space<semaphore_mem>>) src(%dma_wait3A_446 : memref<128x128xf32, #tpu.memory_space<vmem>>) dst(%dma_wait3A_442 : memref<128x128xf32, #tpu.memory_space<hbm>>)
    %dma_wait3A_447 = arith.constant 399 : i32
    %dma_wait3A_448 = arith.constant 0 : i32
    %dma_wait3A_449 = arith.constant 3 : i32
    %dma_wait3A_450 = arith.constant 0 : i32
    %dma_wait3A_451 = arith.constant 0 : i32
    %dma_wait3A_452 = tpu.memref_slice %arg6[%dma_wait3A_449, %dma_wait3A_450, %dma_wait3A_451] : memref<4x128x128xf32, #tpu.memory_space<vmem>> -> memref<1x128x128xf32, #tpu.memory_space<vmem>>
    %dma_wait3A_453 = tpu.memref_squeeze %dma_wait3A_452 : memref<1x128x128xf32, #tpu.memory_space<vmem>> -> memref<128x128xf32, #tpu.memory_space<vmem>>
    %dma_wait3A_454 = arith.constant 0 : i32
    %dma_wait3A_455 = arith.constant 0 : i32
    %dma_wait3A_456 = tpu.memref_slice %arg5[%dma_wait3A_447, %dma_wait3A_454, %dma_wait3A_455] : memref<400x1x128xi32, #tpu.memory_space<vmem>> -> memref<1x1x128xi32, #tpu.memory_space<vmem>>
    %dma_wait3A_457 = tpu.memref_squeeze %dma_wait3A_456 : memref<1x1x128xi32, #tpu.memory_space<vmem>> -> memref<1x128xi32, #tpu.memory_space<vmem>>
    %dma_wait3A_458 = arith.constant 0 : i32
    %dma_wait3A_459 = tpu.memref_slice %dma_wait3A_457[%dma_wait3A_448, %dma_wait3A_458] : memref<1x128xi32, #tpu.memory_space<vmem>> -> memref<1x128xi32, #tpu.memory_space<vmem>>
    %dma_wait3A_460 = tpu.memref_squeeze %dma_wait3A_459 : memref<1x128xi32, #tpu.memory_space<vmem>> -> memref<128xi32, #tpu.memory_space<vmem>>
    %dma_wait3A_461 = arith.constant 0 : i32
    %dma_wait3A_462 = arith.constant 0 : i32
    %dma_wait3A_463 = tpu.memref_slice %arg7[%dma_wait3A_461, %dma_wait3A_462] : memref<100x128xf32, #tpu.memory_space<vmem_shared>> -> memref<100x128xf32, #tpu.memory_space<vmem_shared>>
    tpu.wait_indirect_dma semaphore(%arg11 : memref<!tpu.dma_semaphore, #tpu.memory_space<semaphore_mem>>) src(%dma_wait3A_463 : memref<100x128xf32, #tpu.memory_space<vmem_shared>>) dst(%dma_wait3A_453 : memref<128x128xf32, #tpu.memory_space<vmem>>)
    %add3A_464 = arith.constant 51072 : i32
    %add3A_465 = arith.addi %mul3A_2, %add3A_464 : i32
    %dma_start3A_466 = arith.constant 3 : i32
    %dma_start3A_467 = arith.constant 0 : i32
    %dma_start3A_468 = arith.constant 0 : i32
    %dma_start3A_469 = tpu.memref_slice %arg6[%dma_start3A_466, %dma_start3A_467, %dma_start3A_468] : memref<4x128x128xf32, #tpu.memory_space<vmem>> -> memref<1x128x128xf32, #tpu.memory_space<vmem>>
    %dma_start3A_470 = tpu.memref_squeeze %dma_start3A_469 : memref<1x128x128xf32, #tpu.memory_space<vmem>> -> memref<128x128xf32, #tpu.memory_space<vmem>>
    %dma_start3A_471 = arith.constant 0 : i32
    %dma_start3A_472 = tpu.memref_slice %arg4[%add3A_465, %dma_start3A_471] : memref<3276800x128xf32, #tpu.memory_space<hbm>> -> memref<128x128xf32, #tpu.memory_space<hbm>>
    %dma_start3A_473 = arith.constant 0 : i32
    %dma_start3A_474 = tpu.memref_slice %arg4[%add3A_465, %dma_start3A_473] : memref<3276800x128xf32, #tpu.memory_space<hbm>> -> memref<128x128xf32, #tpu.memory_space<hbm>>
    %dma_start3A_475 = arith.constant 0 : i32
    %dma_start3A_476 = arith.constant 0 : i32
    %dma_start3A_477 = tpu.memref_slice %arg6[%dma_start3A_466, %dma_start3A_475, %dma_start3A_476] : memref<4x128x128xf32, #tpu.memory_space<vmem>> -> memref<1x128x128xf32, #tpu.memory_space<vmem>>
    %dma_start3A_478 = tpu.memref_squeeze %dma_start3A_477 : memref<1x128x128xf32, #tpu.memory_space<vmem>> -> memref<128x128xf32, #tpu.memory_space<vmem>>
    tpu.enqueue_dma source(%dma_start3A_478 : memref<128x128xf32, #tpu.memory_space<vmem>>) target(%dma_start3A_474 : memref<128x128xf32, #tpu.memory_space<hbm>>) target_semaphore(%arg15 : memref<!tpu.dma_semaphore, #tpu.memory_space<semaphore_mem>>)
    %scan3A_479 = arith.constant 0 : i32
    %scan3A_480 = arith.constant 1 : i32
    %mul3A_481 = arith.constant 400 : i32
    %mul3A_482 = arith.muli %scan3A_480, %mul3A_481 : i32
    %add3A_483 = arith.addi %mul3A_4, %mul3A_482 : i32
    "tpu.region"() ({
      %run_scoped3A = tpu.sem_alloc : memref<!tpu.dma_semaphore, #tpu.memory_space<semaphore_mem>>
      %dma_start3A_819 = arith.constant 0 : i32
      %dma_start3A_820 = arith.constant 0 : i32
      %dma_start3A_821 = tpu.memref_slice %arg2[%add3A_483, %dma_start3A_819, %dma_start3A_820] : memref<25600x1x128xi32, #tpu.memory_space<hbm>> -> memref<400x1x128xi32, #tpu.memory_space<hbm>>
      %dma_start3A_822 = arith.constant 0 : i32
      %dma_start3A_823 = arith.constant 0 : i32
      %dma_start3A_824 = tpu.memref_slice %arg2[%add3A_483, %dma_start3A_822, %dma_start3A_823] : memref<25600x1x128xi32, #tpu.memory_space<hbm>> -> memref<400x1x128xi32, #tpu.memory_space<hbm>>
      tpu.enqueue_dma source(%dma_start3A_824 : memref<400x1x128xi32, #tpu.memory_space<hbm>>) target(%arg5 : memref<400x1x128xi32, #tpu.memory_space<vmem>>) target_semaphore(%run_scoped3A : memref<!tpu.dma_semaphore, #tpu.memory_space<semaphore_mem>>)
      %dma_wait3A_825 = arith.constant 0 : i32
      %dma_wait3A_826 = arith.constant 0 : i32
      %dma_wait3A_827 = tpu.memref_slice %arg2[%add3A_483, %dma_wait3A_825, %dma_wait3A_826] : memref<25600x1x128xi32, #tpu.memory_space<hbm>> -> memref<400x1x128xi32, #tpu.memory_space<hbm>>
      %dma_wait3A_828 = arith.constant 0 : i32
      %dma_wait3A_829 = arith.constant 0 : i32
      %dma_wait3A_830 = tpu.memref_slice %arg2[%add3A_483, %dma_wait3A_828, %dma_wait3A_829] : memref<25600x1x128xi32, #tpu.memory_space<hbm>> -> memref<400x1x128xi32, #tpu.memory_space<hbm>>
      tpu.wait_dma2 semaphore(%run_scoped3A : memref<!tpu.dma_semaphore, #tpu.memory_space<semaphore_mem>>) src(%dma_wait3A_830 : memref<400x1x128xi32, #tpu.memory_space<hbm>>) dst(%arg5 : memref<400x1x128xi32, #tpu.memory_space<vmem>>)
      tpu.yield
    }) : () -> ()
    %dma_start3A_484 = arith.constant 0 : i32
    %dma_start3A_485 = arith.constant 0 : i32
    %dma_start3A_486 = arith.constant 0 : i32
    %dma_start3A_487 = arith.constant 0 : i32
    %dma_start3A_488 = arith.constant 0 : i32
    %dma_start3A_489 = tpu.memref_slice %arg6[%dma_start3A_486, %dma_start3A_487, %dma_start3A_488] : memref<4x128x128xf32, #tpu.memory_space<vmem>> -> memref<1x128x128xf32, #tpu.memory_space<vmem>>
    %dma_start3A_490 = tpu.memref_squeeze %dma_start3A_489 : memref<1x128x128xf32, #tpu.memory_space<vmem>> -> memref<128x128xf32, #tpu.memory_space<vmem>>
    %dma_start3A_491 = arith.constant 0 : i32
    %dma_start3A_492 = arith.constant 0 : i32
    %dma_start3A_493 = tpu.memref_slice %arg5[%dma_start3A_484, %dma_start3A_491, %dma_start3A_492] : memref<400x1x128xi32, #tpu.memory_space<vmem>> -> memref<1x1x128xi32, #tpu.memory_space<vmem>>
    %dma_start3A_494 = tpu.memref_squeeze %dma_start3A_493 : memref<1x1x128xi32, #tpu.memory_space<vmem>> -> memref<1x128xi32, #tpu.memory_space<vmem>>
    %dma_start3A_495 = arith.constant 0 : i32
    %dma_start3A_496 = tpu.memref_slice %dma_start3A_494[%dma_start3A_485, %dma_start3A_495] : memref<1x128xi32, #tpu.memory_space<vmem>> -> memref<1x128xi32, #tpu.memory_space<vmem>>
    %dma_start3A_497 = tpu.memref_squeeze %dma_start3A_496 : memref<1x128xi32, #tpu.memory_space<vmem>> -> memref<128xi32, #tpu.memory_space<vmem>>
    %dma_start3A_498 = arith.constant 0 : i32
    %dma_start3A_499 = arith.constant 0 : i32
    %dma_start3A_500 = tpu.memref_slice %arg7[%dma_start3A_498, %dma_start3A_499] : memref<100x128xf32, #tpu.memory_space<vmem_shared>> -> memref<100x128xf32, #tpu.memory_space<vmem_shared>>
    tpu.enqueue_indirect_dma source(%dma_start3A_500 : memref<100x128xf32, #tpu.memory_space<vmem_shared>>) target(%dma_start3A_490 : memref<128x128xf32, #tpu.memory_space<vmem>>) offsets(%dma_start3A_497 : memref<128xi32, #tpu.memory_space<vmem>>) semaphore(%arg8 : memref<!tpu.dma_semaphore, #tpu.memory_space<semaphore_mem>>)
    %scan3A_501 = arith.constant 0 : i32
    %scan3A_502 = arith.constant 0 : i32
    %scan3A_503 = arith.constant 99 : i32
    %scan3A_504 = arith.addi %scan3A_502, %scan3A_503 : i32
    %scan3A_505 = arith.constant 1 : i32
    scf.for %scan3A_819 = %scan3A_502 to %scan3A_504 step %scan3A_505  : i32 {
      %mul3A_820 = arith.constant 4 : i32
      %mul3A_821 = arith.muli %mul3A_820, %scan3A_819 : i32
      %add3A_822 = arith.addi %mul3A_482, %mul3A_821 : i32
      %add3A_823 = arith.constant 0 : i32
      %add3A_824 = arith.addi %add3A_822, %add3A_823 : i32
      %mul3A_825 = arith.constant 4 : i32
      %mul3A_826 = arith.muli %mul3A_825, %scan3A_819 : i32
      %add3A_827 = arith.constant 0 : i32
      %add3A_828 = arith.addi %mul3A_826, %add3A_827 : i32
      %sub3A_829 = arith.constant 3 : i32
      %sub3A_830 = arith.subi %add3A_824, %sub3A_829 : i32
      %mul3A_831 = arith.constant 128 : i32
      %mul3A_832 = arith.muli %sub3A_830, %mul3A_831 : i32
      %add3A_833 = arith.addi %mul3A_2, %mul3A_832 : i32
      %dma_wait3A_834 = arith.constant 1 : i32
      %dma_wait3A_835 = arith.constant 0 : i32
      %dma_wait3A_836 = arith.constant 0 : i32
      %dma_wait3A_837 = tpu.memref_slice %arg6[%dma_wait3A_834, %dma_wait3A_835, %dma_wait3A_836] : memref<4x128x128xf32, #tpu.memory_space<vmem>> -> memref<1x128x128xf32, #tpu.memory_space<vmem>>
      %dma_wait3A_838 = tpu.memref_squeeze %dma_wait3A_837 : memref<1x128x128xf32, #tpu.memory_space<vmem>> -> memref<128x128xf32, #tpu.memory_space<vmem>>
      %dma_wait3A_839 = arith.constant 0 : i32
      %dma_wait3A_840 = tpu.memref_slice %arg4[%add3A_833, %dma_wait3A_839] : memref<3276800x128xf32, #tpu.memory_space<hbm>> -> memref<128x128xf32, #tpu.memory_space<hbm>>
      %dma_wait3A_841 = arith.constant 0 : i32
      %dma_wait3A_842 = tpu.memref_slice %arg4[%add3A_833, %dma_wait3A_841] : memref<3276800x128xf32, #tpu.memory_space<hbm>> -> memref<128x128xf32, #tpu.memory_space<hbm>>
      %dma_wait3A_843 = arith.constant 0 : i32
      %dma_wait3A_844 = arith.constant 0 : i32
      %dma_wait3A_845 = tpu.memref_slice %arg6[%dma_wait3A_834, %dma_wait3A_843, %dma_wait3A_844] : memref<4x128x128xf32, #tpu.memory_space<vmem>> -> memref<1x128x128xf32, #tpu.memory_space<vmem>>
      %dma_wait3A_846 = tpu.memref_squeeze %dma_wait3A_845 : memref<1x128x128xf32, #tpu.memory_space<vmem>> -> memref<128x128xf32, #tpu.memory_space<vmem>>
      tpu.wait_dma2 semaphore(%arg13 : memref<!tpu.dma_semaphore, #tpu.memory_space<semaphore_mem>>) src(%dma_wait3A_846 : memref<128x128xf32, #tpu.memory_space<vmem>>) dst(%dma_wait3A_842 : memref<128x128xf32, #tpu.memory_space<hbm>>)
      %add3A_847 = arith.constant 1 : i32
      %add3A_848 = arith.addi %add3A_828, %add3A_847 : i32
      %dma_start3A_849 = arith.constant 0 : i32
      %dma_start3A_850 = arith.constant 1 : i32
      %dma_start3A_851 = arith.constant 0 : i32
      %dma_start3A_852 = arith.constant 0 : i32
      %dma_start3A_853 = tpu.memref_slice %arg6[%dma_start3A_850, %dma_start3A_851, %dma_start3A_852] : memref<4x128x128xf32, #tpu.memory_space<vmem>> -> memref<1x128x128xf32, #tpu.memory_space<vmem>>
      %dma_start3A_854 = tpu.memref_squeeze %dma_start3A_853 : memref<1x128x128xf32, #tpu.memory_space<vmem>> -> memref<128x128xf32, #tpu.memory_space<vmem>>
      %dma_start3A_855 = arith.constant 0 : i32
      %dma_start3A_856 = arith.constant 0 : i32
      %dma_start3A_857 = tpu.memref_slice %arg5[%add3A_848, %dma_start3A_855, %dma_start3A_856] : memref<400x1x128xi32, #tpu.memory_space<vmem>> -> memref<1x1x128xi32, #tpu.memory_space<vmem>>
      %dma_start3A_858 = tpu.memref_squeeze %dma_start3A_857 : memref<1x1x128xi32, #tpu.memory_space<vmem>> -> memref<1x128xi32, #tpu.memory_space<vmem>>
      %dma_start3A_859 = arith.constant 0 : i32
      %dma_start3A_860 = tpu.memref_slice %dma_start3A_858[%dma_start3A_849, %dma_start3A_859] : memref<1x128xi32, #tpu.memory_space<vmem>> -> memref<1x128xi32, #tpu.memory_space<vmem>>
      %dma_start3A_861 = tpu.memref_squeeze %dma_start3A_860 : memref<1x128xi32, #tpu.memory_space<vmem>> -> memref<128xi32, #tpu.memory_space<vmem>>
      %dma_start3A_862 = arith.constant 0 : i32
      %dma_start3A_863 = arith.constant 0 : i32
      %dma_start3A_864 = tpu.memref_slice %arg7[%dma_start3A_862, %dma_start3A_863] : memref<100x128xf32, #tpu.memory_space<vmem_shared>> -> memref<100x128xf32, #tpu.memory_space<vmem_shared>>
      tpu.enqueue_indirect_dma source(%dma_start3A_864 : memref<100x128xf32, #tpu.memory_space<vmem_shared>>) target(%dma_start3A_854 : memref<128x128xf32, #tpu.memory_space<vmem>>) offsets(%dma_start3A_861 : memref<128xi32, #tpu.memory_space<vmem>>) semaphore(%arg9 : memref<!tpu.dma_semaphore, #tpu.memory_space<semaphore_mem>>)
      %dma_wait3A_865 = arith.constant 0 : i32
      %dma_wait3A_866 = arith.constant 0 : i32
      %dma_wait3A_867 = arith.constant 0 : i32
      %dma_wait3A_868 = arith.constant 0 : i32
      %dma_wait3A_869 = tpu.memref_slice %arg6[%dma_wait3A_866, %dma_wait3A_867, %dma_wait3A_868] : memref<4x128x128xf32, #tpu.memory_space<vmem>> -> memref<1x128x128xf32, #tpu.memory_space<vmem>>
      %dma_wait3A_870 = tpu.memref_squeeze %dma_wait3A_869 : memref<1x128x128xf32, #tpu.memory_space<vmem>> -> memref<128x128xf32, #tpu.memory_space<vmem>>
      %dma_wait3A_871 = arith.constant 0 : i32
      %dma_wait3A_872 = arith.constant 0 : i32
      %dma_wait3A_873 = tpu.memref_slice %arg5[%add3A_828, %dma_wait3A_871, %dma_wait3A_872] : memref<400x1x128xi32, #tpu.memory_space<vmem>> -> memref<1x1x128xi32, #tpu.memory_space<vmem>>
      %dma_wait3A_874 = tpu.memref_squeeze %dma_wait3A_873 : memref<1x1x128xi32, #tpu.memory_space<vmem>> -> memref<1x128xi32, #tpu.memory_space<vmem>>
      %dma_wait3A_875 = arith.constant 0 : i32
      %dma_wait3A_876 = tpu.memref_slice %dma_wait3A_874[%dma_wait3A_865, %dma_wait3A_875] : memref<1x128xi32, #tpu.memory_space<vmem>> -> memref<1x128xi32, #tpu.memory_space<vmem>>
      %dma_wait3A_877 = tpu.memref_squeeze %dma_wait3A_876 : memref<1x128xi32, #tpu.memory_space<vmem>> -> memref<128xi32, #tpu.memory_space<vmem>>
      %dma_wait3A_878 = arith.constant 0 : i32
      %dma_wait3A_879 = arith.constant 0 : i32
      %dma_wait3A_880 = tpu.memref_slice %arg7[%dma_wait3A_878, %dma_wait3A_879] : memref<100x128xf32, #tpu.memory_space<vmem_shared>> -> memref<100x128xf32, #tpu.memory_space<vmem_shared>>
      tpu.wait_indirect_dma semaphore(%arg8 : memref<!tpu.dma_semaphore, #tpu.memory_space<semaphore_mem>>) src(%dma_wait3A_880 : memref<100x128xf32, #tpu.memory_space<vmem_shared>>) dst(%dma_wait3A_870 : memref<128x128xf32, #tpu.memory_space<vmem>>)
      %mul3A_881 = arith.constant 128 : i32
      %mul3A_882 = arith.muli %add3A_824, %mul3A_881 : i32
      %add3A_883 = arith.addi %mul3A_2, %mul3A_882 : i32
      %dma_start3A_884 = arith.constant 0 : i32
      %dma_start3A_885 = arith.constant 0 : i32
      %dma_start3A_886 = arith.constant 0 : i32
      %dma_start3A_887 = tpu.memref_slice %arg6[%dma_start3A_884, %dma_start3A_885, %dma_start3A_886] : memref<4x128x128xf32, #tpu.memory_space<vmem>> -> memref<1x128x128xf32, #tpu.memory_space<vmem>>
      %dma_start3A_888 = tpu.memref_squeeze %dma_start3A_887 : memref<1x128x128xf32, #tpu.memory_space<vmem>> -> memref<128x128xf32, #tpu.memory_space<vmem>>
      %dma_start3A_889 = arith.constant 0 : i32
      %dma_start3A_890 = tpu.memref_slice %arg4[%add3A_883, %dma_start3A_889] : memref<3276800x128xf32, #tpu.memory_space<hbm>> -> memref<128x128xf32, #tpu.memory_space<hbm>>
      %dma_start3A_891 = arith.constant 0 : i32
      %dma_start3A_892 = tpu.memref_slice %arg4[%add3A_883, %dma_start3A_891] : memref<3276800x128xf32, #tpu.memory_space<hbm>> -> memref<128x128xf32, #tpu.memory_space<hbm>>
      %dma_start3A_893 = arith.constant 0 : i32
      %dma_start3A_894 = arith.constant 0 : i32
      %dma_start3A_895 = tpu.memref_slice %arg6[%dma_start3A_884, %dma_start3A_893, %dma_start3A_894] : memref<4x128x128xf32, #tpu.memory_space<vmem>> -> memref<1x128x128xf32, #tpu.memory_space<vmem>>
      %dma_start3A_896 = tpu.memref_squeeze %dma_start3A_895 : memref<1x128x128xf32, #tpu.memory_space<vmem>> -> memref<128x128xf32, #tpu.memory_space<vmem>>
      tpu.enqueue_dma source(%dma_start3A_896 : memref<128x128xf32, #tpu.memory_space<vmem>>) target(%dma_start3A_892 : memref<128x128xf32, #tpu.memory_space<hbm>>) target_semaphore(%arg12 : memref<!tpu.dma_semaphore, #tpu.memory_space<semaphore_mem>>)
      %add3A_897 = arith.constant 1 : i32
      %add3A_898 = arith.addi %add3A_822, %add3A_897 : i32
      %mul3A_899 = arith.constant 4 : i32
      %mul3A_900 = arith.muli %mul3A_899, %scan3A_819 : i32
      %add3A_901 = arith.constant 1 : i32
      %add3A_902 = arith.addi %mul3A_900, %add3A_901 : i32
      %sub3A_903 = arith.constant 3 : i32
      %sub3A_904 = arith.subi %add3A_898, %sub3A_903 : i32
      %mul3A_905 = arith.constant 128 : i32
      %mul3A_906 = arith.muli %sub3A_904, %mul3A_905 : i32
      %add3A_907 = arith.addi %mul3A_2, %mul3A_906 : i32
      %dma_wait3A_908 = arith.constant 2 : i32
      %dma_wait3A_909 = arith.constant 0 : i32
      %dma_wait3A_910 = arith.constant 0 : i32
      %dma_wait3A_911 = tpu.memref_slice %arg6[%dma_wait3A_908, %dma_wait3A_909, %dma_wait3A_910] : memref<4x128x128xf32, #tpu.memory_space<vmem>> -> memref<1x128x128xf32, #tpu.memory_space<vmem>>
      %dma_wait3A_912 = tpu.memref_squeeze %dma_wait3A_911 : memref<1x128x128xf32, #tpu.memory_space<vmem>> -> memref<128x128xf32, #tpu.memory_space<vmem>>
      %dma_wait3A_913 = arith.constant 0 : i32
      %dma_wait3A_914 = tpu.memref_slice %arg4[%add3A_907, %dma_wait3A_913] : memref<3276800x128xf32, #tpu.memory_space<hbm>> -> memref<128x128xf32, #tpu.memory_space<hbm>>
      %dma_wait3A_915 = arith.constant 0 : i32
      %dma_wait3A_916 = tpu.memref_slice %arg4[%add3A_907, %dma_wait3A_915] : memref<3276800x128xf32, #tpu.memory_space<hbm>> -> memref<128x128xf32, #tpu.memory_space<hbm>>
      %dma_wait3A_917 = arith.constant 0 : i32
      %dma_wait3A_918 = arith.constant 0 : i32
      %dma_wait3A_919 = tpu.memref_slice %arg6[%dma_wait3A_908, %dma_wait3A_917, %dma_wait3A_918] : memref<4x128x128xf32, #tpu.memory_space<vmem>> -> memref<1x128x128xf32, #tpu.memory_space<vmem>>
      %dma_wait3A_920 = tpu.memref_squeeze %dma_wait3A_919 : memref<1x128x128xf32, #tpu.memory_space<vmem>> -> memref<128x128xf32, #tpu.memory_space<vmem>>
      tpu.wait_dma2 semaphore(%arg14 : memref<!tpu.dma_semaphore, #tpu.memory_space<semaphore_mem>>) src(%dma_wait3A_920 : memref<128x128xf32, #tpu.memory_space<vmem>>) dst(%dma_wait3A_916 : memref<128x128xf32, #tpu.memory_space<hbm>>)
      %add3A_921 = arith.constant 1 : i32
      %add3A_922 = arith.addi %add3A_902, %add3A_921 : i32
      %dma_start3A_923 = arith.constant 0 : i32
      %dma_start3A_924 = arith.constant 2 : i32
      %dma_start3A_925 = arith.constant 0 : i32
      %dma_start3A_926 = arith.constant 0 : i32
      %dma_start3A_927 = tpu.memref_slice %arg6[%dma_start3A_924, %dma_start3A_925, %dma_start3A_926] : memref<4x128x128xf32, #tpu.memory_space<vmem>> -> memref<1x128x128xf32, #tpu.memory_space<vmem>>
      %dma_start3A_928 = tpu.memref_squeeze %dma_start3A_927 : memref<1x128x128xf32, #tpu.memory_space<vmem>> -> memref<128x128xf32, #tpu.memory_space<vmem>>
      %dma_start3A_929 = arith.constant 0 : i32
      %dma_start3A_930 = arith.constant 0 : i32
      %dma_start3A_931 = tpu.memref_slice %arg5[%add3A_922, %dma_start3A_929, %dma_start3A_930] : memref<400x1x128xi32, #tpu.memory_space<vmem>> -> memref<1x1x128xi32, #tpu.memory_space<vmem>>
      %dma_start3A_932 = tpu.memref_squeeze %dma_start3A_931 : memref<1x1x128xi32, #tpu.memory_space<vmem>> -> memref<1x128xi32, #tpu.memory_space<vmem>>
      %dma_start3A_933 = arith.constant 0 : i32
      %dma_start3A_934 = tpu.memref_slice %dma_start3A_932[%dma_start3A_923, %dma_start3A_933] : memref<1x128xi32, #tpu.memory_space<vmem>> -> memref<1x128xi32, #tpu.memory_space<vmem>>
      %dma_start3A_935 = tpu.memref_squeeze %dma_start3A_934 : memref<1x128xi32, #tpu.memory_space<vmem>> -> memref<128xi32, #tpu.memory_space<vmem>>
      %dma_start3A_936 = arith.constant 0 : i32
      %dma_start3A_937 = arith.constant 0 : i32
      %dma_start3A_938 = tpu.memref_slice %arg7[%dma_start3A_936, %dma_start3A_937] : memref<100x128xf32, #tpu.memory_space<vmem_shared>> -> memref<100x128xf32, #tpu.memory_space<vmem_shared>>
      tpu.enqueue_indirect_dma source(%dma_start3A_938 : memref<100x128xf32, #tpu.memory_space<vmem_shared>>) target(%dma_start3A_928 : memref<128x128xf32, #tpu.memory_space<vmem>>) offsets(%dma_start3A_935 : memref<128xi32, #tpu.memory_space<vmem>>) semaphore(%arg10 : memref<!tpu.dma_semaphore, #tpu.memory_space<semaphore_mem>>)
      %dma_wait3A_939 = arith.constant 0 : i32
      %dma_wait3A_940 = arith.constant 1 : i32
      %dma_wait3A_941 = arith.constant 0 : i32
      %dma_wait3A_942 = arith.constant 0 : i32
      %dma_wait3A_943 = tpu.memref_slice %arg6[%dma_wait3A_940, %dma_wait3A_941, %dma_wait3A_942] : memref<4x128x128xf32, #tpu.memory_space<vmem>> -> memref<1x128x128xf32, #tpu.memory_space<vmem>>
      %dma_wait3A_944 = tpu.memref_squeeze %dma_wait3A_943 : memref<1x128x128xf32, #tpu.memory_space<vmem>> -> memref<128x128xf32, #tpu.memory_space<vmem>>
      %dma_wait3A_945 = arith.constant 0 : i32
      %dma_wait3A_946 = arith.constant 0 : i32
      %dma_wait3A_947 = tpu.memref_slice %arg5[%add3A_902, %dma_wait3A_945, %dma_wait3A_946] : memref<400x1x128xi32, #tpu.memory_space<vmem>> -> memref<1x1x128xi32, #tpu.memory_space<vmem>>
      %dma_wait3A_948 = tpu.memref_squeeze %dma_wait3A_947 : memref<1x1x128xi32, #tpu.memory_space<vmem>> -> memref<1x128xi32, #tpu.memory_space<vmem>>
      %dma_wait3A_949 = arith.constant 0 : i32
      %dma_wait3A_950 = tpu.memref_slice %dma_wait3A_948[%dma_wait3A_939, %dma_wait3A_949] : memref<1x128xi32, #tpu.memory_space<vmem>> -> memref<1x128xi32, #tpu.memory_space<vmem>>
      %dma_wait3A_951 = tpu.memref_squeeze %dma_wait3A_950 : memref<1x128xi32, #tpu.memory_space<vmem>> -> memref<128xi32, #tpu.memory_space<vmem>>
      %dma_wait3A_952 = arith.constant 0 : i32
      %dma_wait3A_953 = arith.constant 0 : i32
      %dma_wait3A_954 = tpu.memref_slice %arg7[%dma_wait3A_952, %dma_wait3A_953] : memref<100x128xf32, #tpu.memory_space<vmem_shared>> -> memref<100x128xf32, #tpu.memory_space<vmem_shared>>
      tpu.wait_indirect_dma semaphore(%arg9 : memref<!tpu.dma_semaphore, #tpu.memory_space<semaphore_mem>>) src(%dma_wait3A_954 : memref<100x128xf32, #tpu.memory_space<vmem_shared>>) dst(%dma_wait3A_944 : memref<128x128xf32, #tpu.memory_space<vmem>>)
      %mul3A_955 = arith.constant 128 : i32
      %mul3A_956 = arith.muli %add3A_898, %mul3A_955 : i32
      %add3A_957 = arith.addi %mul3A_2, %mul3A_956 : i32
      %dma_start3A_958 = arith.constant 1 : i32
      %dma_start3A_959 = arith.constant 0 : i32
      %dma_start3A_960 = arith.constant 0 : i32
      %dma_start3A_961 = tpu.memref_slice %arg6[%dma_start3A_958, %dma_start3A_959, %dma_start3A_960] : memref<4x128x128xf32, #tpu.memory_space<vmem>> -> memref<1x128x128xf32, #tpu.memory_space<vmem>>
      %dma_start3A_962 = tpu.memref_squeeze %dma_start3A_961 : memref<1x128x128xf32, #tpu.memory_space<vmem>> -> memref<128x128xf32, #tpu.memory_space<vmem>>
      %dma_start3A_963 = arith.constant 0 : i32
      %dma_start3A_964 = tpu.memref_slice %arg4[%add3A_957, %dma_start3A_963] : memref<3276800x128xf32, #tpu.memory_space<hbm>> -> memref<128x128xf32, #tpu.memory_space<hbm>>
      %dma_start3A_965 = arith.constant 0 : i32
      %dma_start3A_966 = tpu.memref_slice %arg4[%add3A_957, %dma_start3A_965] : memref<3276800x128xf32, #tpu.memory_space<hbm>> -> memref<128x128xf32, #tpu.memory_space<hbm>>
      %dma_start3A_967 = arith.constant 0 : i32
      %dma_start3A_968 = arith.constant 0 : i32
      %dma_start3A_969 = tpu.memref_slice %arg6[%dma_start3A_958, %dma_start3A_967, %dma_start3A_968] : memref<4x128x128xf32, #tpu.memory_space<vmem>> -> memref<1x128x128xf32, #tpu.memory_space<vmem>>
      %dma_start3A_970 = tpu.memref_squeeze %dma_start3A_969 : memref<1x128x128xf32, #tpu.memory_space<vmem>> -> memref<128x128xf32, #tpu.memory_space<vmem>>
      tpu.enqueue_dma source(%dma_start3A_970 : memref<128x128xf32, #tpu.memory_space<vmem>>) target(%dma_start3A_966 : memref<128x128xf32, #tpu.memory_space<hbm>>) target_semaphore(%arg13 : memref<!tpu.dma_semaphore, #tpu.memory_space<semaphore_mem>>)
      %add3A_971 = arith.constant 2 : i32
      %add3A_972 = arith.addi %add3A_822, %add3A_971 : i32
      %mul3A_973 = arith.constant 4 : i32
      %mul3A_974 = arith.muli %mul3A_973, %scan3A_819 : i32
      %add3A_975 = arith.constant 2 : i32
      %add3A_976 = arith.addi %mul3A_974, %add3A_975 : i32
      %sub3A_977 = arith.constant 3 : i32
      %sub3A_978 = arith.subi %add3A_972, %sub3A_977 : i32
      %mul3A_979 = arith.constant 128 : i32
      %mul3A_980 = arith.muli %sub3A_978, %mul3A_979 : i32
      %add3A_981 = arith.addi %mul3A_2, %mul3A_980 : i32
      %dma_wait3A_982 = arith.constant 3 : i32
      %dma_wait3A_983 = arith.constant 0 : i32
      %dma_wait3A_984 = arith.constant 0 : i32
      %dma_wait3A_985 = tpu.memref_slice %arg6[%dma_wait3A_982, %dma_wait3A_983, %dma_wait3A_984] : memref<4x128x128xf32, #tpu.memory_space<vmem>> -> memref<1x128x128xf32, #tpu.memory_space<vmem>>
      %dma_wait3A_986 = tpu.memref_squeeze %dma_wait3A_985 : memref<1x128x128xf32, #tpu.memory_space<vmem>> -> memref<128x128xf32, #tpu.memory_space<vmem>>
      %dma_wait3A_987 = arith.constant 0 : i32
      %dma_wait3A_988 = tpu.memref_slice %arg4[%add3A_981, %dma_wait3A_987] : memref<3276800x128xf32, #tpu.memory_space<hbm>> -> memref<128x128xf32, #tpu.memory_space<hbm>>
      %dma_wait3A_989 = arith.constant 0 : i32
      %dma_wait3A_990 = tpu.memref_slice %arg4[%add3A_981, %dma_wait3A_989] : memref<3276800x128xf32, #tpu.memory_space<hbm>> -> memref<128x128xf32, #tpu.memory_space<hbm>>
      %dma_wait3A_991 = arith.constant 0 : i32
      %dma_wait3A_992 = arith.constant 0 : i32
      %dma_wait3A_993 = tpu.memref_slice %arg6[%dma_wait3A_982, %dma_wait3A_991, %dma_wait3A_992] : memref<4x128x128xf32, #tpu.memory_space<vmem>> -> memref<1x128x128xf32, #tpu.memory_space<vmem>>
      %dma_wait3A_994 = tpu.memref_squeeze %dma_wait3A_993 : memref<1x128x128xf32, #tpu.memory_space<vmem>> -> memref<128x128xf32, #tpu.memory_space<vmem>>
      tpu.wait_dma2 semaphore(%arg15 : memref<!tpu.dma_semaphore, #tpu.memory_space<semaphore_mem>>) src(%dma_wait3A_994 : memref<128x128xf32, #tpu.memory_space<vmem>>) dst(%dma_wait3A_990 : memref<128x128xf32, #tpu.memory_space<hbm>>)
      %add3A_995 = arith.constant 1 : i32
      %add3A_996 = arith.addi %add3A_976, %add3A_995 : i32
      %dma_start3A_997 = arith.constant 0 : i32
      %dma_start3A_998 = arith.constant 3 : i32
      %dma_start3A_999 = arith.constant 0 : i32
      %dma_start3A_1000 = arith.constant 0 : i32
      %dma_start3A_1001 = tpu.memref_slice %arg6[%dma_start3A_998, %dma_start3A_999, %dma_start3A_1000] : memref<4x128x128xf32, #tpu.memory_space<vmem>> -> memref<1x128x128xf32, #tpu.memory_space<vmem>>
      %dma_start3A_1002 = tpu.memref_squeeze %dma_start3A_1001 : memref<1x128x128xf32, #tpu.memory_space<vmem>> -> memref<128x128xf32, #tpu.memory_space<vmem>>
      %dma_start3A_1003 = arith.constant 0 : i32
      %dma_start3A_1004 = arith.constant 0 : i32
      %dma_start3A_1005 = tpu.memref_slice %arg5[%add3A_996, %dma_start3A_1003, %dma_start3A_1004] : memref<400x1x128xi32, #tpu.memory_space<vmem>> -> memref<1x1x128xi32, #tpu.memory_space<vmem>>
      %dma_start3A_1006 = tpu.memref_squeeze %dma_start3A_1005 : memref<1x1x128xi32, #tpu.memory_space<vmem>> -> memref<1x128xi32, #tpu.memory_space<vmem>>
      %dma_start3A_1007 = arith.constant 0 : i32
      %dma_start3A_1008 = tpu.memref_slice %dma_start3A_1006[%dma_start3A_997, %dma_start3A_1007] : memref<1x128xi32, #tpu.memory_space<vmem>> -> memref<1x128xi32, #tpu.memory_space<vmem>>
      %dma_start3A_1009 = tpu.memref_squeeze %dma_start3A_1008 : memref<1x128xi32, #tpu.memory_space<vmem>> -> memref<128xi32, #tpu.memory_space<vmem>>
      %dma_start3A_1010 = arith.constant 0 : i32
      %dma_start3A_1011 = arith.constant 0 : i32
      %dma_start3A_1012 = tpu.memref_slice %arg7[%dma_start3A_1010, %dma_start3A_1011] : memref<100x128xf32, #tpu.memory_space<vmem_shared>> -> memref<100x128xf32, #tpu.memory_space<vmem_shared>>
      tpu.enqueue_indirect_dma source(%dma_start3A_1012 : memref<100x128xf32, #tpu.memory_space<vmem_shared>>) target(%dma_start3A_1002 : memref<128x128xf32, #tpu.memory_space<vmem>>) offsets(%dma_start3A_1009 : memref<128xi32, #tpu.memory_space<vmem>>) semaphore(%arg11 : memref<!tpu.dma_semaphore, #tpu.memory_space<semaphore_mem>>)
      %dma_wait3A_1013 = arith.constant 0 : i32
      %dma_wait3A_1014 = arith.constant 2 : i32
      %dma_wait3A_1015 = arith.constant 0 : i32
      %dma_wait3A_1016 = arith.constant 0 : i32
      %dma_wait3A_1017 = tpu.memref_slice %arg6[%dma_wait3A_1014, %dma_wait3A_1015, %dma_wait3A_1016] : memref<4x128x128xf32, #tpu.memory_space<vmem>> -> memref<1x128x128xf32, #tpu.memory_space<vmem>>
      %dma_wait3A_1018 = tpu.memref_squeeze %dma_wait3A_1017 : memref<1x128x128xf32, #tpu.memory_space<vmem>> -> memref<128x128xf32, #tpu.memory_space<vmem>>
      %dma_wait3A_1019 = arith.constant 0 : i32
      %dma_wait3A_1020 = arith.constant 0 : i32
      %dma_wait3A_1021 = tpu.memref_slice %arg5[%add3A_976, %dma_wait3A_1019, %dma_wait3A_1020] : memref<400x1x128xi32, #tpu.memory_space<vmem>> -> memref<1x1x128xi32, #tpu.memory_space<vmem>>
      %dma_wait3A_1022 = tpu.memref_squeeze %dma_wait3A_1021 : memref<1x1x128xi32, #tpu.memory_space<vmem>> -> memref<1x128xi32, #tpu.memory_space<vmem>>
      %dma_wait3A_1023 = arith.constant 0 : i32
      %dma_wait3A_1024 = tpu.memref_slice %dma_wait3A_1022[%dma_wait3A_1013, %dma_wait3A_1023] : memref<1x128xi32, #tpu.memory_space<vmem>> -> memref<1x128xi32, #tpu.memory_space<vmem>>
      %dma_wait3A_1025 = tpu.memref_squeeze %dma_wait3A_1024 : memref<1x128xi32, #tpu.memory_space<vmem>> -> memref<128xi32, #tpu.memory_space<vmem>>
      %dma_wait3A_1026 = arith.constant 0 : i32
      %dma_wait3A_1027 = arith.constant 0 : i32
      %dma_wait3A_1028 = tpu.memref_slice %arg7[%dma_wait3A_1026, %dma_wait3A_1027] : memref<100x128xf32, #tpu.memory_space<vmem_shared>> -> memref<100x128xf32, #tpu.memory_space<vmem_shared>>
      tpu.wait_indirect_dma semaphore(%arg10 : memref<!tpu.dma_semaphore, #tpu.memory_space<semaphore_mem>>) src(%dma_wait3A_1028 : memref<100x128xf32, #tpu.memory_space<vmem_shared>>) dst(%dma_wait3A_1018 : memref<128x128xf32, #tpu.memory_space<vmem>>)
      %mul3A_1029 = arith.constant 128 : i32
      %mul3A_1030 = arith.muli %add3A_972, %mul3A_1029 : i32
      %add3A_1031 = arith.addi %mul3A_2, %mul3A_1030 : i32
      %dma_start3A_1032 = arith.constant 2 : i32
      %dma_start3A_1033 = arith.constant 0 : i32
      %dma_start3A_1034 = arith.constant 0 : i32
      %dma_start3A_1035 = tpu.memref_slice %arg6[%dma_start3A_1032, %dma_start3A_1033, %dma_start3A_1034] : memref<4x128x128xf32, #tpu.memory_space<vmem>> -> memref<1x128x128xf32, #tpu.memory_space<vmem>>
      %dma_start3A_1036 = tpu.memref_squeeze %dma_start3A_1035 : memref<1x128x128xf32, #tpu.memory_space<vmem>> -> memref<128x128xf32, #tpu.memory_space<vmem>>
      %dma_start3A_1037 = arith.constant 0 : i32
      %dma_start3A_1038 = tpu.memref_slice %arg4[%add3A_1031, %dma_start3A_1037] : memref<3276800x128xf32, #tpu.memory_space<hbm>> -> memref<128x128xf32, #tpu.memory_space<hbm>>
      %dma_start3A_1039 = arith.constant 0 : i32
      %dma_start3A_1040 = tpu.memref_slice %arg4[%add3A_1031, %dma_start3A_1039] : memref<3276800x128xf32, #tpu.memory_space<hbm>> -> memref<128x128xf32, #tpu.memory_space<hbm>>
      %dma_start3A_1041 = arith.constant 0 : i32
      %dma_start3A_1042 = arith.constant 0 : i32
      %dma_start3A_1043 = tpu.memref_slice %arg6[%dma_start3A_1032, %dma_start3A_1041, %dma_start3A_1042] : memref<4x128x128xf32, #tpu.memory_space<vmem>> -> memref<1x128x128xf32, #tpu.memory_space<vmem>>
      %dma_start3A_1044 = tpu.memref_squeeze %dma_start3A_1043 : memref<1x128x128xf32, #tpu.memory_space<vmem>> -> memref<128x128xf32, #tpu.memory_space<vmem>>
      tpu.enqueue_dma source(%dma_start3A_1044 : memref<128x128xf32, #tpu.memory_space<vmem>>) target(%dma_start3A_1040 : memref<128x128xf32, #tpu.memory_space<hbm>>) target_semaphore(%arg14 : memref<!tpu.dma_semaphore, #tpu.memory_space<semaphore_mem>>)
      %add3A_1045 = arith.constant 3 : i32
      %add3A_1046 = arith.addi %add3A_822, %add3A_1045 : i32
      %mul3A_1047 = arith.constant 4 : i32
      %mul3A_1048 = arith.muli %mul3A_1047, %scan3A_819 : i32
      %add3A_1049 = arith.constant 3 : i32
      %add3A_1050 = arith.addi %mul3A_1048, %add3A_1049 : i32
      %sub3A_1051 = arith.constant 3 : i32
      %sub3A_1052 = arith.subi %add3A_1046, %sub3A_1051 : i32
      %mul3A_1053 = arith.constant 128 : i32
      %mul3A_1054 = arith.muli %sub3A_1052, %mul3A_1053 : i32
      %add3A_1055 = arith.addi %mul3A_2, %mul3A_1054 : i32
      %dma_wait3A_1056 = arith.constant 0 : i32
      %dma_wait3A_1057 = arith.constant 0 : i32
      %dma_wait3A_1058 = arith.constant 0 : i32
      %dma_wait3A_1059 = tpu.memref_slice %arg6[%dma_wait3A_1056, %dma_wait3A_1057, %dma_wait3A_1058] : memref<4x128x128xf32, #tpu.memory_space<vmem>> -> memref<1x128x128xf32, #tpu.memory_space<vmem>>
      %dma_wait3A_1060 = tpu.memref_squeeze %dma_wait3A_1059 : memref<1x128x128xf32, #tpu.memory_space<vmem>> -> memref<128x128xf32, #tpu.memory_space<vmem>>
      %dma_wait3A_1061 = arith.constant 0 : i32
      %dma_wait3A_1062 = tpu.memref_slice %arg4[%add3A_1055, %dma_wait3A_1061] : memref<3276800x128xf32, #tpu.memory_space<hbm>> -> memref<128x128xf32, #tpu.memory_space<hbm>>
      %dma_wait3A_1063 = arith.constant 0 : i32
      %dma_wait3A_1064 = tpu.memref_slice %arg4[%add3A_1055, %dma_wait3A_1063] : memref<3276800x128xf32, #tpu.memory_space<hbm>> -> memref<128x128xf32, #tpu.memory_space<hbm>>
      %dma_wait3A_1065 = arith.constant 0 : i32
      %dma_wait3A_1066 = arith.constant 0 : i32
      %dma_wait3A_1067 = tpu.memref_slice %arg6[%dma_wait3A_1056, %dma_wait3A_1065, %dma_wait3A_1066] : memref<4x128x128xf32, #tpu.memory_space<vmem>> -> memref<1x128x128xf32, #tpu.memory_space<vmem>>
      %dma_wait3A_1068 = tpu.memref_squeeze %dma_wait3A_1067 : memref<1x128x128xf32, #tpu.memory_space<vmem>> -> memref<128x128xf32, #tpu.memory_space<vmem>>
      tpu.wait_dma2 semaphore(%arg12 : memref<!tpu.dma_semaphore, #tpu.memory_space<semaphore_mem>>) src(%dma_wait3A_1068 : memref<128x128xf32, #tpu.memory_space<vmem>>) dst(%dma_wait3A_1064 : memref<128x128xf32, #tpu.memory_space<hbm>>)
      %add3A_1069 = arith.constant 1 : i32
      %add3A_1070 = arith.addi %add3A_1050, %add3A_1069 : i32
      %dma_start3A_1071 = arith.constant 0 : i32
      %dma_start3A_1072 = arith.constant 0 : i32
      %dma_start3A_1073 = arith.constant 0 : i32
      %dma_start3A_1074 = arith.constant 0 : i32
      %dma_start3A_1075 = tpu.memref_slice %arg6[%dma_start3A_1072, %dma_start3A_1073, %dma_start3A_1074] : memref<4x128x128xf32, #tpu.memory_space<vmem>> -> memref<1x128x128xf32, #tpu.memory_space<vmem>>
      %dma_start3A_1076 = tpu.memref_squeeze %dma_start3A_1075 : memref<1x128x128xf32, #tpu.memory_space<vmem>> -> memref<128x128xf32, #tpu.memory_space<vmem>>
      %dma_start3A_1077 = arith.constant 0 : i32
      %dma_start3A_1078 = arith.constant 0 : i32
      %dma_start3A_1079 = tpu.memref_slice %arg5[%add3A_1070, %dma_start3A_1077, %dma_start3A_1078] : memref<400x1x128xi32, #tpu.memory_space<vmem>> -> memref<1x1x128xi32, #tpu.memory_space<vmem>>
      %dma_start3A_1080 = tpu.memref_squeeze %dma_start3A_1079 : memref<1x1x128xi32, #tpu.memory_space<vmem>> -> memref<1x128xi32, #tpu.memory_space<vmem>>
      %dma_start3A_1081 = arith.constant 0 : i32
      %dma_start3A_1082 = tpu.memref_slice %dma_start3A_1080[%dma_start3A_1071, %dma_start3A_1081] : memref<1x128xi32, #tpu.memory_space<vmem>> -> memref<1x128xi32, #tpu.memory_space<vmem>>
      %dma_start3A_1083 = tpu.memref_squeeze %dma_start3A_1082 : memref<1x128xi32, #tpu.memory_space<vmem>> -> memref<128xi32, #tpu.memory_space<vmem>>
      %dma_start3A_1084 = arith.constant 0 : i32
      %dma_start3A_1085 = arith.constant 0 : i32
      %dma_start3A_1086 = tpu.memref_slice %arg7[%dma_start3A_1084, %dma_start3A_1085] : memref<100x128xf32, #tpu.memory_space<vmem_shared>> -> memref<100x128xf32, #tpu.memory_space<vmem_shared>>
      tpu.enqueue_indirect_dma source(%dma_start3A_1086 : memref<100x128xf32, #tpu.memory_space<vmem_shared>>) target(%dma_start3A_1076 : memref<128x128xf32, #tpu.memory_space<vmem>>) offsets(%dma_start3A_1083 : memref<128xi32, #tpu.memory_space<vmem>>) semaphore(%arg8 : memref<!tpu.dma_semaphore, #tpu.memory_space<semaphore_mem>>)
      %dma_wait3A_1087 = arith.constant 0 : i32
      %dma_wait3A_1088 = arith.constant 3 : i32
      %dma_wait3A_1089 = arith.constant 0 : i32
      %dma_wait3A_1090 = arith.constant 0 : i32
      %dma_wait3A_1091 = tpu.memref_slice %arg6[%dma_wait3A_1088, %dma_wait3A_1089, %dma_wait3A_1090] : memref<4x128x128xf32, #tpu.memory_space<vmem>> -> memref<1x128x128xf32, #tpu.memory_space<vmem>>
      %dma_wait3A_1092 = tpu.memref_squeeze %dma_wait3A_1091 : memref<1x128x128xf32, #tpu.memory_space<vmem>> -> memref<128x128xf32, #tpu.memory_space<vmem>>
      %dma_wait3A_1093 = arith.constant 0 : i32
      %dma_wait3A_1094 = arith.constant 0 : i32
      %dma_wait3A_1095 = tpu.memref_slice %arg5[%add3A_1050, %dma_wait3A_1093, %dma_wait3A_1094] : memref<400x1x128xi32, #tpu.memory_space<vmem>> -> memref<1x1x128xi32, #tpu.memory_space<vmem>>
      %dma_wait3A_1096 = tpu.memref_squeeze %dma_wait3A_1095 : memref<1x1x128xi32, #tpu.memory_space<vmem>> -> memref<1x128xi32, #tpu.memory_space<vmem>>
      %dma_wait3A_1097 = arith.constant 0 : i32
      %dma_wait3A_1098 = tpu.memref_slice %dma_wait3A_1096[%dma_wait3A_1087, %dma_wait3A_1097] : memref<1x128xi32, #tpu.memory_space<vmem>> -> memref<1x128xi32, #tpu.memory_space<vmem>>
      %dma_wait3A_1099 = tpu.memref_squeeze %dma_wait3A_1098 : memref<1x128xi32, #tpu.memory_space<vmem>> -> memref<128xi32, #tpu.memory_space<vmem>>
      %dma_wait3A_1100 = arith.constant 0 : i32
      %dma_wait3A_1101 = arith.constant 0 : i32
      %dma_wait3A_1102 = tpu.memref_slice %arg7[%dma_wait3A_1100, %dma_wait3A_1101] : memref<100x128xf32, #tpu.memory_space<vmem_shared>> -> memref<100x128xf32, #tpu.memory_space<vmem_shared>>
      tpu.wait_indirect_dma semaphore(%arg11 : memref<!tpu.dma_semaphore, #tpu.memory_space<semaphore_mem>>) src(%dma_wait3A_1102 : memref<100x128xf32, #tpu.memory_space<vmem_shared>>) dst(%dma_wait3A_1092 : memref<128x128xf32, #tpu.memory_space<vmem>>)
      %mul3A_1103 = arith.constant 128 : i32
      %mul3A_1104 = arith.muli %add3A_1046, %mul3A_1103 : i32
      %add3A_1105 = arith.addi %mul3A_2, %mul3A_1104 : i32
      %dma_start3A_1106 = arith.constant 3 : i32
      %dma_start3A_1107 = arith.constant 0 : i32
      %dma_start3A_1108 = arith.constant 0 : i32
      %dma_start3A_1109 = tpu.memref_slice %arg6[%dma_start3A_1106, %dma_start3A_1107, %dma_start3A_1108] : memref<4x128x128xf32, #tpu.memory_space<vmem>> -> memref<1x128x128xf32, #tpu.memory_space<vmem>>
      %dma_start3A_1110 = tpu.memref_squeeze %dma_start3A_1109 : memref<1x128x128xf32, #tpu.memory_space<vmem>> -> memref<128x128xf32, #tpu.memory_space<vmem>>
      %dma_start3A_1111 = arith.constant 0 : i32
      %dma_start3A_1112 = tpu.memref_slice %arg4[%add3A_1105, %dma_start3A_1111] : memref<3276800x128xf32, #tpu.memory_space<hbm>> -> memref<128x128xf32, #tpu.memory_space<hbm>>
      %dma_start3A_1113 = arith.constant 0 : i32
      %dma_start3A_1114 = tpu.memref_slice %arg4[%add3A_1105, %dma_start3A_1113] : memref<3276800x128xf32, #tpu.memory_space<hbm>> -> memref<128x128xf32, #tpu.memory_space<hbm>>
      %dma_start3A_1115 = arith.constant 0 : i32
      %dma_start3A_1116 = arith.constant 0 : i32
      %dma_start3A_1117 = tpu.memref_slice %arg6[%dma_start3A_1106, %dma_start3A_1115, %dma_start3A_1116] : memref<4x128x128xf32, #tpu.memory_space<vmem>> -> memref<1x128x128xf32, #tpu.memory_space<vmem>>
      %dma_start3A_1118 = tpu.memref_squeeze %dma_start3A_1117 : memref<1x128x128xf32, #tpu.memory_space<vmem>> -> memref<128x128xf32, #tpu.memory_space<vmem>>
      tpu.enqueue_dma source(%dma_start3A_1118 : memref<128x128xf32, #tpu.memory_space<vmem>>) target(%dma_start3A_1114 : memref<128x128xf32, #tpu.memory_space<hbm>>) target_semaphore(%arg15 : memref<!tpu.dma_semaphore, #tpu.memory_space<semaphore_mem>>)
    }
    %scan3A_506 = arith.constant 99 : i32
    %add3A_507 = arith.constant 400 : i32
    %add3A_508 = arith.addi %mul3A_482, %add3A_507 : i32
    %sub3A = arith.constant 4 : i32
    %sub3A_509 = arith.subi %add3A_508, %sub3A : i32
    %add3A_510 = arith.constant 0 : i32
    %add3A_511 = arith.addi %sub3A_509, %add3A_510 : i32
    %sub3A_512 = arith.constant 3 : i32
    %sub3A_513 = arith.subi %add3A_511, %sub3A_512 : i32
    %mul3A_514 = arith.constant 128 : i32
    %mul3A_515 = arith.muli %sub3A_513, %mul3A_514 : i32
    %add3A_516 = arith.addi %mul3A_2, %mul3A_515 : i32
    %dma_wait3A_517 = arith.constant 1 : i32
    %dma_wait3A_518 = arith.constant 0 : i32
    %dma_wait3A_519 = arith.constant 0 : i32
    %dma_wait3A_520 = tpu.memref_slice %arg6[%dma_wait3A_517, %dma_wait3A_518, %dma_wait3A_519] : memref<4x128x128xf32, #tpu.memory_space<vmem>> -> memref<1x128x128xf32, #tpu.memory_space<vmem>>
    %dma_wait3A_521 = tpu.memref_squeeze %dma_wait3A_520 : memref<1x128x128xf32, #tpu.memory_space<vmem>> -> memref<128x128xf32, #tpu.memory_space<vmem>>
    %dma_wait3A_522 = arith.constant 0 : i32
    %dma_wait3A_523 = tpu.memref_slice %arg4[%add3A_516, %dma_wait3A_522] : memref<3276800x128xf32, #tpu.memory_space<hbm>> -> memref<128x128xf32, #tpu.memory_space<hbm>>
    %dma_wait3A_524 = arith.constant 0 : i32
    %dma_wait3A_525 = tpu.memref_slice %arg4[%add3A_516, %dma_wait3A_524] : memref<3276800x128xf32, #tpu.memory_space<hbm>> -> memref<128x128xf32, #tpu.memory_space<hbm>>
    %dma_wait3A_526 = arith.constant 0 : i32
    %dma_wait3A_527 = arith.constant 0 : i32
    %dma_wait3A_528 = tpu.memref_slice %arg6[%dma_wait3A_517, %dma_wait3A_526, %dma_wait3A_527] : memref<4x128x128xf32, #tpu.memory_space<vmem>> -> memref<1x128x128xf32, #tpu.memory_space<vmem>>
    %dma_wait3A_529 = tpu.memref_squeeze %dma_wait3A_528 : memref<1x128x128xf32, #tpu.memory_space<vmem>> -> memref<128x128xf32, #tpu.memory_space<vmem>>
    tpu.wait_dma2 semaphore(%arg13 : memref<!tpu.dma_semaphore, #tpu.memory_space<semaphore_mem>>) src(%dma_wait3A_529 : memref<128x128xf32, #tpu.memory_space<vmem>>) dst(%dma_wait3A_525 : memref<128x128xf32, #tpu.memory_space<hbm>>)
    %dma_start3A_530 = arith.constant 397 : i32
    %dma_start3A_531 = arith.constant 0 : i32
    %dma_start3A_532 = arith.constant 1 : i32
    %dma_start3A_533 = arith.constant 0 : i32
    %dma_start3A_534 = arith.constant 0 : i32
    %dma_start3A_535 = tpu.memref_slice %arg6[%dma_start3A_532, %dma_start3A_533, %dma_start3A_534] : memref<4x128x128xf32, #tpu.memory_space<vmem>> -> memref<1x128x128xf32, #tpu.memory_space<vmem>>
    %dma_start3A_536 = tpu.memref_squeeze %dma_start3A_535 : memref<1x128x128xf32, #tpu.memory_space<vmem>> -> memref<128x128xf32, #tpu.memory_space<vmem>>
    %dma_start3A_537 = arith.constant 0 : i32
    %dma_start3A_538 = arith.constant 0 : i32
    %dma_start3A_539 = tpu.memref_slice %arg5[%dma_start3A_530, %dma_start3A_537, %dma_start3A_538] : memref<400x1x128xi32, #tpu.memory_space<vmem>> -> memref<1x1x128xi32, #tpu.memory_space<vmem>>
    %dma_start3A_540 = tpu.memref_squeeze %dma_start3A_539 : memref<1x1x128xi32, #tpu.memory_space<vmem>> -> memref<1x128xi32, #tpu.memory_space<vmem>>
    %dma_start3A_541 = arith.constant 0 : i32
    %dma_start3A_542 = tpu.memref_slice %dma_start3A_540[%dma_start3A_531, %dma_start3A_541] : memref<1x128xi32, #tpu.memory_space<vmem>> -> memref<1x128xi32, #tpu.memory_space<vmem>>
    %dma_start3A_543 = tpu.memref_squeeze %dma_start3A_542 : memref<1x128xi32, #tpu.memory_space<vmem>> -> memref<128xi32, #tpu.memory_space<vmem>>
    %dma_start3A_544 = arith.constant 0 : i32
    %dma_start3A_545 = arith.constant 0 : i32
    %dma_start3A_546 = tpu.memref_slice %arg7[%dma_start3A_544, %dma_start3A_545] : memref<100x128xf32, #tpu.memory_space<vmem_shared>> -> memref<100x128xf32, #tpu.memory_space<vmem_shared>>
    tpu.enqueue_indirect_dma source(%dma_start3A_546 : memref<100x128xf32, #tpu.memory_space<vmem_shared>>) target(%dma_start3A_536 : memref<128x128xf32, #tpu.memory_space<vmem>>) offsets(%dma_start3A_543 : memref<128xi32, #tpu.memory_space<vmem>>) semaphore(%arg9 : memref<!tpu.dma_semaphore, #tpu.memory_space<semaphore_mem>>)
    %dma_wait3A_547 = arith.constant 396 : i32
    %dma_wait3A_548 = arith.constant 0 : i32
    %dma_wait3A_549 = arith.constant 0 : i32
    %dma_wait3A_550 = arith.constant 0 : i32
    %dma_wait3A_551 = arith.constant 0 : i32
    %dma_wait3A_552 = tpu.memref_slice %arg6[%dma_wait3A_549, %dma_wait3A_550, %dma_wait3A_551] : memref<4x128x128xf32, #tpu.memory_space<vmem>> -> memref<1x128x128xf32, #tpu.memory_space<vmem>>
    %dma_wait3A_553 = tpu.memref_squeeze %dma_wait3A_552 : memref<1x128x128xf32, #tpu.memory_space<vmem>> -> memref<128x128xf32, #tpu.memory_space<vmem>>
    %dma_wait3A_554 = arith.constant 0 : i32
    %dma_wait3A_555 = arith.constant 0 : i32
    %dma_wait3A_556 = tpu.memref_slice %arg5[%dma_wait3A_547, %dma_wait3A_554, %dma_wait3A_555] : memref<400x1x128xi32, #tpu.memory_space<vmem>> -> memref<1x1x128xi32, #tpu.memory_space<vmem>>
    %dma_wait3A_557 = tpu.memref_squeeze %dma_wait3A_556 : memref<1x1x128xi32, #tpu.memory_space<vmem>> -> memref<1x128xi32, #tpu.memory_space<vmem>>
    %dma_wait3A_558 = arith.constant 0 : i32
    %dma_wait3A_559 = tpu.memref_slice %dma_wait3A_557[%dma_wait3A_548, %dma_wait3A_558] : memref<1x128xi32, #tpu.memory_space<vmem>> -> memref<1x128xi32, #tpu.memory_space<vmem>>
    %dma_wait3A_560 = tpu.memref_squeeze %dma_wait3A_559 : memref<1x128xi32, #tpu.memory_space<vmem>> -> memref<128xi32, #tpu.memory_space<vmem>>
    %dma_wait3A_561 = arith.constant 0 : i32
    %dma_wait3A_562 = arith.constant 0 : i32
    %dma_wait3A_563 = tpu.memref_slice %arg7[%dma_wait3A_561, %dma_wait3A_562] : memref<100x128xf32, #tpu.memory_space<vmem_shared>> -> memref<100x128xf32, #tpu.memory_space<vmem_shared>>
    tpu.wait_indirect_dma semaphore(%arg8 : memref<!tpu.dma_semaphore, #tpu.memory_space<semaphore_mem>>) src(%dma_wait3A_563 : memref<100x128xf32, #tpu.memory_space<vmem_shared>>) dst(%dma_wait3A_553 : memref<128x128xf32, #tpu.memory_space<vmem>>)
    %mul3A_564 = arith.constant 128 : i32
    %mul3A_565 = arith.muli %add3A_511, %mul3A_564 : i32
    %add3A_566 = arith.addi %mul3A_2, %mul3A_565 : i32
    %dma_start3A_567 = arith.constant 0 : i32
    %dma_start3A_568 = arith.constant 0 : i32
    %dma_start3A_569 = arith.constant 0 : i32
    %dma_start3A_570 = tpu.memref_slice %arg6[%dma_start3A_567, %dma_start3A_568, %dma_start3A_569] : memref<4x128x128xf32, #tpu.memory_space<vmem>> -> memref<1x128x128xf32, #tpu.memory_space<vmem>>
    %dma_start3A_571 = tpu.memref_squeeze %dma_start3A_570 : memref<1x128x128xf32, #tpu.memory_space<vmem>> -> memref<128x128xf32, #tpu.memory_space<vmem>>
    %dma_start3A_572 = arith.constant 0 : i32
    %dma_start3A_573 = tpu.memref_slice %arg4[%add3A_566, %dma_start3A_572] : memref<3276800x128xf32, #tpu.memory_space<hbm>> -> memref<128x128xf32, #tpu.memory_space<hbm>>
    %dma_start3A_574 = arith.constant 0 : i32
    %dma_start3A_575 = tpu.memref_slice %arg4[%add3A_566, %dma_start3A_574] : memref<3276800x128xf32, #tpu.memory_space<hbm>> -> memref<128x128xf32, #tpu.memory_space<hbm>>
    %dma_start3A_576 = arith.constant 0 : i32
    %dma_start3A_577 = arith.constant 0 : i32
    %dma_start3A_578 = tpu.memref_slice %arg6[%dma_start3A_567, %dma_start3A_576, %dma_start3A_577] : memref<4x128x128xf32, #tpu.memory_space<vmem>> -> memref<1x128x128xf32, #tpu.memory_space<vmem>>
    %dma_start3A_579 = tpu.memref_squeeze %dma_start3A_578 : memref<1x128x128xf32, #tpu.memory_space<vmem>> -> memref<128x128xf32, #tpu.memory_space<vmem>>
    tpu.enqueue_dma source(%dma_start3A_579 : memref<128x128xf32, #tpu.memory_space<vmem>>) target(%dma_start3A_575 : memref<128x128xf32, #tpu.memory_space<hbm>>) target_semaphore(%arg12 : memref<!tpu.dma_semaphore, #tpu.memory_space<semaphore_mem>>)
    %add3A_580 = arith.constant 1 : i32
    %add3A_581 = arith.addi %sub3A_509, %add3A_580 : i32
    %sub3A_582 = arith.constant 3 : i32
    %sub3A_583 = arith.subi %add3A_581, %sub3A_582 : i32
    %mul3A_584 = arith.constant 128 : i32
    %mul3A_585 = arith.muli %sub3A_583, %mul3A_584 : i32
    %add3A_586 = arith.addi %mul3A_2, %mul3A_585 : i32
    %dma_wait3A_587 = arith.constant 2 : i32
    %dma_wait3A_588 = arith.constant 0 : i32
    %dma_wait3A_589 = arith.constant 0 : i32
    %dma_wait3A_590 = tpu.memref_slice %arg6[%dma_wait3A_587, %dma_wait3A_588, %dma_wait3A_589] : memref<4x128x128xf32, #tpu.memory_space<vmem>> -> memref<1x128x128xf32, #tpu.memory_space<vmem>>
    %dma_wait3A_591 = tpu.memref_squeeze %dma_wait3A_590 : memref<1x128x128xf32, #tpu.memory_space<vmem>> -> memref<128x128xf32, #tpu.memory_space<vmem>>
    %dma_wait3A_592 = arith.constant 0 : i32
    %dma_wait3A_593 = tpu.memref_slice %arg4[%add3A_586, %dma_wait3A_592] : memref<3276800x128xf32, #tpu.memory_space<hbm>> -> memref<128x128xf32, #tpu.memory_space<hbm>>
    %dma_wait3A_594 = arith.constant 0 : i32
    %dma_wait3A_595 = tpu.memref_slice %arg4[%add3A_586, %dma_wait3A_594] : memref<3276800x128xf32, #tpu.memory_space<hbm>> -> memref<128x128xf32, #tpu.memory_space<hbm>>
    %dma_wait3A_596 = arith.constant 0 : i32
    %dma_wait3A_597 = arith.constant 0 : i32
    %dma_wait3A_598 = tpu.memref_slice %arg6[%dma_wait3A_587, %dma_wait3A_596, %dma_wait3A_597] : memref<4x128x128xf32, #tpu.memory_space<vmem>> -> memref<1x128x128xf32, #tpu.memory_space<vmem>>
    %dma_wait3A_599 = tpu.memref_squeeze %dma_wait3A_598 : memref<1x128x128xf32, #tpu.memory_space<vmem>> -> memref<128x128xf32, #tpu.memory_space<vmem>>
    tpu.wait_dma2 semaphore(%arg14 : memref<!tpu.dma_semaphore, #tpu.memory_space<semaphore_mem>>) src(%dma_wait3A_599 : memref<128x128xf32, #tpu.memory_space<vmem>>) dst(%dma_wait3A_595 : memref<128x128xf32, #tpu.memory_space<hbm>>)
    %dma_start3A_600 = arith.constant 398 : i32
    %dma_start3A_601 = arith.constant 0 : i32
    %dma_start3A_602 = arith.constant 2 : i32
    %dma_start3A_603 = arith.constant 0 : i32
    %dma_start3A_604 = arith.constant 0 : i32
    %dma_start3A_605 = tpu.memref_slice %arg6[%dma_start3A_602, %dma_start3A_603, %dma_start3A_604] : memref<4x128x128xf32, #tpu.memory_space<vmem>> -> memref<1x128x128xf32, #tpu.memory_space<vmem>>
    %dma_start3A_606 = tpu.memref_squeeze %dma_start3A_605 : memref<1x128x128xf32, #tpu.memory_space<vmem>> -> memref<128x128xf32, #tpu.memory_space<vmem>>
    %dma_start3A_607 = arith.constant 0 : i32
    %dma_start3A_608 = arith.constant 0 : i32
    %dma_start3A_609 = tpu.memref_slice %arg5[%dma_start3A_600, %dma_start3A_607, %dma_start3A_608] : memref<400x1x128xi32, #tpu.memory_space<vmem>> -> memref<1x1x128xi32, #tpu.memory_space<vmem>>
    %dma_start3A_610 = tpu.memref_squeeze %dma_start3A_609 : memref<1x1x128xi32, #tpu.memory_space<vmem>> -> memref<1x128xi32, #tpu.memory_space<vmem>>
    %dma_start3A_611 = arith.constant 0 : i32
    %dma_start3A_612 = tpu.memref_slice %dma_start3A_610[%dma_start3A_601, %dma_start3A_611] : memref<1x128xi32, #tpu.memory_space<vmem>> -> memref<1x128xi32, #tpu.memory_space<vmem>>
    %dma_start3A_613 = tpu.memref_squeeze %dma_start3A_612 : memref<1x128xi32, #tpu.memory_space<vmem>> -> memref<128xi32, #tpu.memory_space<vmem>>
    %dma_start3A_614 = arith.constant 0 : i32
    %dma_start3A_615 = arith.constant 0 : i32
    %dma_start3A_616 = tpu.memref_slice %arg7[%dma_start3A_614, %dma_start3A_615] : memref<100x128xf32, #tpu.memory_space<vmem_shared>> -> memref<100x128xf32, #tpu.memory_space<vmem_shared>>
    tpu.enqueue_indirect_dma source(%dma_start3A_616 : memref<100x128xf32, #tpu.memory_space<vmem_shared>>) target(%dma_start3A_606 : memref<128x128xf32, #tpu.memory_space<vmem>>) offsets(%dma_start3A_613 : memref<128xi32, #tpu.memory_space<vmem>>) semaphore(%arg10 : memref<!tpu.dma_semaphore, #tpu.memory_space<semaphore_mem>>)
    %dma_wait3A_617 = arith.constant 397 : i32
    %dma_wait3A_618 = arith.constant 0 : i32
    %dma_wait3A_619 = arith.constant 1 : i32
    %dma_wait3A_620 = arith.constant 0 : i32
    %dma_wait3A_621 = arith.constant 0 : i32
    %dma_wait3A_622 = tpu.memref_slice %arg6[%dma_wait3A_619, %dma_wait3A_620, %dma_wait3A_621] : memref<4x128x128xf32, #tpu.memory_space<vmem>> -> memref<1x128x128xf32, #tpu.memory_space<vmem>>
    %dma_wait3A_623 = tpu.memref_squeeze %dma_wait3A_622 : memref<1x128x128xf32, #tpu.memory_space<vmem>> -> memref<128x128xf32, #tpu.memory_space<vmem>>
    %dma_wait3A_624 = arith.constant 0 : i32
    %dma_wait3A_625 = arith.constant 0 : i32
    %dma_wait3A_626 = tpu.memref_slice %arg5[%dma_wait3A_617, %dma_wait3A_624, %dma_wait3A_625] : memref<400x1x128xi32, #tpu.memory_space<vmem>> -> memref<1x1x128xi32, #tpu.memory_space<vmem>>
    %dma_wait3A_627 = tpu.memref_squeeze %dma_wait3A_626 : memref<1x1x128xi32, #tpu.memory_space<vmem>> -> memref<1x128xi32, #tpu.memory_space<vmem>>
    %dma_wait3A_628 = arith.constant 0 : i32
    %dma_wait3A_629 = tpu.memref_slice %dma_wait3A_627[%dma_wait3A_618, %dma_wait3A_628] : memref<1x128xi32, #tpu.memory_space<vmem>> -> memref<1x128xi32, #tpu.memory_space<vmem>>
    %dma_wait3A_630 = tpu.memref_squeeze %dma_wait3A_629 : memref<1x128xi32, #tpu.memory_space<vmem>> -> memref<128xi32, #tpu.memory_space<vmem>>
    %dma_wait3A_631 = arith.constant 0 : i32
    %dma_wait3A_632 = arith.constant 0 : i32
    %dma_wait3A_633 = tpu.memref_slice %arg7[%dma_wait3A_631, %dma_wait3A_632] : memref<100x128xf32, #tpu.memory_space<vmem_shared>> -> memref<100x128xf32, #tpu.memory_space<vmem_shared>>
    tpu.wait_indirect_dma semaphore(%arg9 : memref<!tpu.dma_semaphore, #tpu.memory_space<semaphore_mem>>) src(%dma_wait3A_633 : memref<100x128xf32, #tpu.memory_space<vmem_shared>>) dst(%dma_wait3A_623 : memref<128x128xf32, #tpu.memory_space<vmem>>)
    %mul3A_634 = arith.constant 128 : i32
    %mul3A_635 = arith.muli %add3A_581, %mul3A_634 : i32
    %add3A_636 = arith.addi %mul3A_2, %mul3A_635 : i32
    %dma_start3A_637 = arith.constant 1 : i32
    %dma_start3A_638 = arith.constant 0 : i32
    %dma_start3A_639 = arith.constant 0 : i32
    %dma_start3A_640 = tpu.memref_slice %arg6[%dma_start3A_637, %dma_start3A_638, %dma_start3A_639] : memref<4x128x128xf32, #tpu.memory_space<vmem>> -> memref<1x128x128xf32, #tpu.memory_space<vmem>>
    %dma_start3A_641 = tpu.memref_squeeze %dma_start3A_640 : memref<1x128x128xf32, #tpu.memory_space<vmem>> -> memref<128x128xf32, #tpu.memory_space<vmem>>
    %dma_start3A_642 = arith.constant 0 : i32
    %dma_start3A_643 = tpu.memref_slice %arg4[%add3A_636, %dma_start3A_642] : memref<3276800x128xf32, #tpu.memory_space<hbm>> -> memref<128x128xf32, #tpu.memory_space<hbm>>
    %dma_start3A_644 = arith.constant 0 : i32
    %dma_start3A_645 = tpu.memref_slice %arg4[%add3A_636, %dma_start3A_644] : memref<3276800x128xf32, #tpu.memory_space<hbm>> -> memref<128x128xf32, #tpu.memory_space<hbm>>
    %dma_start3A_646 = arith.constant 0 : i32
    %dma_start3A_647 = arith.constant 0 : i32
    %dma_start3A_648 = tpu.memref_slice %arg6[%dma_start3A_637, %dma_start3A_646, %dma_start3A_647] : memref<4x128x128xf32, #tpu.memory_space<vmem>> -> memref<1x128x128xf32, #tpu.memory_space<vmem>>
    %dma_start3A_649 = tpu.memref_squeeze %dma_start3A_648 : memref<1x128x128xf32, #tpu.memory_space<vmem>> -> memref<128x128xf32, #tpu.memory_space<vmem>>
    tpu.enqueue_dma source(%dma_start3A_649 : memref<128x128xf32, #tpu.memory_space<vmem>>) target(%dma_start3A_645 : memref<128x128xf32, #tpu.memory_space<hbm>>) target_semaphore(%arg13 : memref<!tpu.dma_semaphore, #tpu.memory_space<semaphore_mem>>)
    %add3A_650 = arith.constant 2 : i32
    %add3A_651 = arith.addi %sub3A_509, %add3A_650 : i32
    %sub3A_652 = arith.constant 3 : i32
    %sub3A_653 = arith.subi %add3A_651, %sub3A_652 : i32
    %mul3A_654 = arith.constant 128 : i32
    %mul3A_655 = arith.muli %sub3A_653, %mul3A_654 : i32
    %add3A_656 = arith.addi %mul3A_2, %mul3A_655 : i32
    %dma_wait3A_657 = arith.constant 3 : i32
    %dma_wait3A_658 = arith.constant 0 : i32
    %dma_wait3A_659 = arith.constant 0 : i32
    %dma_wait3A_660 = tpu.memref_slice %arg6[%dma_wait3A_657, %dma_wait3A_658, %dma_wait3A_659] : memref<4x128x128xf32, #tpu.memory_space<vmem>> -> memref<1x128x128xf32, #tpu.memory_space<vmem>>
    %dma_wait3A_661 = tpu.memref_squeeze %dma_wait3A_660 : memref<1x128x128xf32, #tpu.memory_space<vmem>> -> memref<128x128xf32, #tpu.memory_space<vmem>>
    %dma_wait3A_662 = arith.constant 0 : i32
    %dma_wait3A_663 = tpu.memref_slice %arg4[%add3A_656, %dma_wait3A_662] : memref<3276800x128xf32, #tpu.memory_space<hbm>> -> memref<128x128xf32, #tpu.memory_space<hbm>>
    %dma_wait3A_664 = arith.constant 0 : i32
    %dma_wait3A_665 = tpu.memref_slice %arg4[%add3A_656, %dma_wait3A_664] : memref<3276800x128xf32, #tpu.memory_space<hbm>> -> memref<128x128xf32, #tpu.memory_space<hbm>>
    %dma_wait3A_666 = arith.constant 0 : i32
    %dma_wait3A_667 = arith.constant 0 : i32
    %dma_wait3A_668 = tpu.memref_slice %arg6[%dma_wait3A_657, %dma_wait3A_666, %dma_wait3A_667] : memref<4x128x128xf32, #tpu.memory_space<vmem>> -> memref<1x128x128xf32, #tpu.memory_space<vmem>>
    %dma_wait3A_669 = tpu.memref_squeeze %dma_wait3A_668 : memref<1x128x128xf32, #tpu.memory_space<vmem>> -> memref<128x128xf32, #tpu.memory_space<vmem>>
    tpu.wait_dma2 semaphore(%arg15 : memref<!tpu.dma_semaphore, #tpu.memory_space<semaphore_mem>>) src(%dma_wait3A_669 : memref<128x128xf32, #tpu.memory_space<vmem>>) dst(%dma_wait3A_665 : memref<128x128xf32, #tpu.memory_space<hbm>>)
    %dma_start3A_670 = arith.constant 399 : i32
    %dma_start3A_671 = arith.constant 0 : i32
    %dma_start3A_672 = arith.constant 3 : i32
    %dma_start3A_673 = arith.constant 0 : i32
    %dma_start3A_674 = arith.constant 0 : i32
    %dma_start3A_675 = tpu.memref_slice %arg6[%dma_start3A_672, %dma_start3A_673, %dma_start3A_674] : memref<4x128x128xf32, #tpu.memory_space<vmem>> -> memref<1x128x128xf32, #tpu.memory_space<vmem>>
    %dma_start3A_676 = tpu.memref_squeeze %dma_start3A_675 : memref<1x128x128xf32, #tpu.memory_space<vmem>> -> memref<128x128xf32, #tpu.memory_space<vmem>>
    %dma_start3A_677 = arith.constant 0 : i32
    %dma_start3A_678 = arith.constant 0 : i32
    %dma_start3A_679 = tpu.memref_slice %arg5[%dma_start3A_670, %dma_start3A_677, %dma_start3A_678] : memref<400x1x128xi32, #tpu.memory_space<vmem>> -> memref<1x1x128xi32, #tpu.memory_space<vmem>>
    %dma_start3A_680 = tpu.memref_squeeze %dma_start3A_679 : memref<1x1x128xi32, #tpu.memory_space<vmem>> -> memref<1x128xi32, #tpu.memory_space<vmem>>
    %dma_start3A_681 = arith.constant 0 : i32
    %dma_start3A_682 = tpu.memref_slice %dma_start3A_680[%dma_start3A_671, %dma_start3A_681] : memref<1x128xi32, #tpu.memory_space<vmem>> -> memref<1x128xi32, #tpu.memory_space<vmem>>
    %dma_start3A_683 = tpu.memref_squeeze %dma_start3A_682 : memref<1x128xi32, #tpu.memory_space<vmem>> -> memref<128xi32, #tpu.memory_space<vmem>>
    %dma_start3A_684 = arith.constant 0 : i32
    %dma_start3A_685 = arith.constant 0 : i32
    %dma_start3A_686 = tpu.memref_slice %arg7[%dma_start3A_684, %dma_start3A_685] : memref<100x128xf32, #tpu.memory_space<vmem_shared>> -> memref<100x128xf32, #tpu.memory_space<vmem_shared>>
    tpu.enqueue_indirect_dma source(%dma_start3A_686 : memref<100x128xf32, #tpu.memory_space<vmem_shared>>) target(%dma_start3A_676 : memref<128x128xf32, #tpu.memory_space<vmem>>) offsets(%dma_start3A_683 : memref<128xi32, #tpu.memory_space<vmem>>) semaphore(%arg11 : memref<!tpu.dma_semaphore, #tpu.memory_space<semaphore_mem>>)
    %dma_wait3A_687 = arith.constant 398 : i32
    %dma_wait3A_688 = arith.constant 0 : i32
    %dma_wait3A_689 = arith.constant 2 : i32
    %dma_wait3A_690 = arith.constant 0 : i32
    %dma_wait3A_691 = arith.constant 0 : i32
    %dma_wait3A_692 = tpu.memref_slice %arg6[%dma_wait3A_689, %dma_wait3A_690, %dma_wait3A_691] : memref<4x128x128xf32, #tpu.memory_space<vmem>> -> memref<1x128x128xf32, #tpu.memory_space<vmem>>
    %dma_wait3A_693 = tpu.memref_squeeze %dma_wait3A_692 : memref<1x128x128xf32, #tpu.memory_space<vmem>> -> memref<128x128xf32, #tpu.memory_space<vmem>>
    %dma_wait3A_694 = arith.constant 0 : i32
    %dma_wait3A_695 = arith.constant 0 : i32
    %dma_wait3A_696 = tpu.memref_slice %arg5[%dma_wait3A_687, %dma_wait3A_694, %dma_wait3A_695] : memref<400x1x128xi32, #tpu.memory_space<vmem>> -> memref<1x1x128xi32, #tpu.memory_space<vmem>>
    %dma_wait3A_697 = tpu.memref_squeeze %dma_wait3A_696 : memref<1x1x128xi32, #tpu.memory_space<vmem>> -> memref<1x128xi32, #tpu.memory_space<vmem>>
    %dma_wait3A_698 = arith.constant 0 : i32
    %dma_wait3A_699 = tpu.memref_slice %dma_wait3A_697[%dma_wait3A_688, %dma_wait3A_698] : memref<1x128xi32, #tpu.memory_space<vmem>> -> memref<1x128xi32, #tpu.memory_space<vmem>>
    %dma_wait3A_700 = tpu.memref_squeeze %dma_wait3A_699 : memref<1x128xi32, #tpu.memory_space<vmem>> -> memref<128xi32, #tpu.memory_space<vmem>>
    %dma_wait3A_701 = arith.constant 0 : i32
    %dma_wait3A_702 = arith.constant 0 : i32
    %dma_wait3A_703 = tpu.memref_slice %arg7[%dma_wait3A_701, %dma_wait3A_702] : memref<100x128xf32, #tpu.memory_space<vmem_shared>> -> memref<100x128xf32, #tpu.memory_space<vmem_shared>>
    tpu.wait_indirect_dma semaphore(%arg10 : memref<!tpu.dma_semaphore, #tpu.memory_space<semaphore_mem>>) src(%dma_wait3A_703 : memref<100x128xf32, #tpu.memory_space<vmem_shared>>) dst(%dma_wait3A_693 : memref<128x128xf32, #tpu.memory_space<vmem>>)
    %mul3A_704 = arith.constant 128 : i32
    %mul3A_705 = arith.muli %add3A_651, %mul3A_704 : i32
    %add3A_706 = arith.addi %mul3A_2, %mul3A_705 : i32
    %dma_start3A_707 = arith.constant 2 : i32
    %dma_start3A_708 = arith.constant 0 : i32
    %dma_start3A_709 = arith.constant 0 : i32
    %dma_start3A_710 = tpu.memref_slice %arg6[%dma_start3A_707, %dma_start3A_708, %dma_start3A_709] : memref<4x128x128xf32, #tpu.memory_space<vmem>> -> memref<1x128x128xf32, #tpu.memory_space<vmem>>
    %dma_start3A_711 = tpu.memref_squeeze %dma_start3A_710 : memref<1x128x128xf32, #tpu.memory_space<vmem>> -> memref<128x128xf32, #tpu.memory_space<vmem>>
    %dma_start3A_712 = arith.constant 0 : i32
    %dma_start3A_713 = tpu.memref_slice %arg4[%add3A_706, %dma_start3A_712] : memref<3276800x128xf32, #tpu.memory_space<hbm>> -> memref<128x128xf32, #tpu.memory_space<hbm>>
    %dma_start3A_714 = arith.constant 0 : i32
    %dma_start3A_715 = tpu.memref_slice %arg4[%add3A_706, %dma_start3A_714] : memref<3276800x128xf32, #tpu.memory_space<hbm>> -> memref<128x128xf32, #tpu.memory_space<hbm>>
    %dma_start3A_716 = arith.constant 0 : i32
    %dma_start3A_717 = arith.constant 0 : i32
    %dma_start3A_718 = tpu.memref_slice %arg6[%dma_start3A_707, %dma_start3A_716, %dma_start3A_717] : memref<4x128x128xf32, #tpu.memory_space<vmem>> -> memref<1x128x128xf32, #tpu.memory_space<vmem>>
    %dma_start3A_719 = tpu.memref_squeeze %dma_start3A_718 : memref<1x128x128xf32, #tpu.memory_space<vmem>> -> memref<128x128xf32, #tpu.memory_space<vmem>>
    tpu.enqueue_dma source(%dma_start3A_719 : memref<128x128xf32, #tpu.memory_space<vmem>>) target(%dma_start3A_715 : memref<128x128xf32, #tpu.memory_space<hbm>>) target_semaphore(%arg14 : memref<!tpu.dma_semaphore, #tpu.memory_space<semaphore_mem>>)
    %add3A_720 = arith.constant 3 : i32
    %add3A_721 = arith.addi %sub3A_509, %add3A_720 : i32
    %sub3A_722 = arith.constant 3 : i32
    %sub3A_723 = arith.subi %add3A_721, %sub3A_722 : i32
    %mul3A_724 = arith.constant 128 : i32
    %mul3A_725 = arith.muli %sub3A_723, %mul3A_724 : i32
    %add3A_726 = arith.addi %mul3A_2, %mul3A_725 : i32
    %dma_wait3A_727 = arith.constant 0 : i32
    %dma_wait3A_728 = arith.constant 0 : i32
    %dma_wait3A_729 = arith.constant 0 : i32
    %dma_wait3A_730 = tpu.memref_slice %arg6[%dma_wait3A_727, %dma_wait3A_728, %dma_wait3A_729] : memref<4x128x128xf32, #tpu.memory_space<vmem>> -> memref<1x128x128xf32, #tpu.memory_space<vmem>>
    %dma_wait3A_731 = tpu.memref_squeeze %dma_wait3A_730 : memref<1x128x128xf32, #tpu.memory_space<vmem>> -> memref<128x128xf32, #tpu.memory_space<vmem>>
    %dma_wait3A_732 = arith.constant 0 : i32
    %dma_wait3A_733 = tpu.memref_slice %arg4[%add3A_726, %dma_wait3A_732] : memref<3276800x128xf32, #tpu.memory_space<hbm>> -> memref<128x128xf32, #tpu.memory_space<hbm>>
    %dma_wait3A_734 = arith.constant 0 : i32
    %dma_wait3A_735 = tpu.memref_slice %arg4[%add3A_726, %dma_wait3A_734] : memref<3276800x128xf32, #tpu.memory_space<hbm>> -> memref<128x128xf32, #tpu.memory_space<hbm>>
    %dma_wait3A_736 = arith.constant 0 : i32
    %dma_wait3A_737 = arith.constant 0 : i32
    %dma_wait3A_738 = tpu.memref_slice %arg6[%dma_wait3A_727, %dma_wait3A_736, %dma_wait3A_737] : memref<4x128x128xf32, #tpu.memory_space<vmem>> -> memref<1x128x128xf32, #tpu.memory_space<vmem>>
    %dma_wait3A_739 = tpu.memref_squeeze %dma_wait3A_738 : memref<1x128x128xf32, #tpu.memory_space<vmem>> -> memref<128x128xf32, #tpu.memory_space<vmem>>
    tpu.wait_dma2 semaphore(%arg12 : memref<!tpu.dma_semaphore, #tpu.memory_space<semaphore_mem>>) src(%dma_wait3A_739 : memref<128x128xf32, #tpu.memory_space<vmem>>) dst(%dma_wait3A_735 : memref<128x128xf32, #tpu.memory_space<hbm>>)
    %dma_wait3A_740 = arith.constant 399 : i32
    %dma_wait3A_741 = arith.constant 0 : i32
    %dma_wait3A_742 = arith.constant 3 : i32
    %dma_wait3A_743 = arith.constant 0 : i32
    %dma_wait3A_744 = arith.constant 0 : i32
    %dma_wait3A_745 = tpu.memref_slice %arg6[%dma_wait3A_742, %dma_wait3A_743, %dma_wait3A_744] : memref<4x128x128xf32, #tpu.memory_space<vmem>> -> memref<1x128x128xf32, #tpu.memory_space<vmem>>
    %dma_wait3A_746 = tpu.memref_squeeze %dma_wait3A_745 : memref<1x128x128xf32, #tpu.memory_space<vmem>> -> memref<128x128xf32, #tpu.memory_space<vmem>>
    %dma_wait3A_747 = arith.constant 0 : i32
    %dma_wait3A_748 = arith.constant 0 : i32
    %dma_wait3A_749 = tpu.memref_slice %arg5[%dma_wait3A_740, %dma_wait3A_747, %dma_wait3A_748] : memref<400x1x128xi32, #tpu.memory_space<vmem>> -> memref<1x1x128xi32, #tpu.memory_space<vmem>>
    %dma_wait3A_750 = tpu.memref_squeeze %dma_wait3A_749 : memref<1x1x128xi32, #tpu.memory_space<vmem>> -> memref<1x128xi32, #tpu.memory_space<vmem>>
    %dma_wait3A_751 = arith.constant 0 : i32
    %dma_wait3A_752 = tpu.memref_slice %dma_wait3A_750[%dma_wait3A_741, %dma_wait3A_751] : memref<1x128xi32, #tpu.memory_space<vmem>> -> memref<1x128xi32, #tpu.memory_space<vmem>>
    %dma_wait3A_753 = tpu.memref_squeeze %dma_wait3A_752 : memref<1x128xi32, #tpu.memory_space<vmem>> -> memref<128xi32, #tpu.memory_space<vmem>>
    %dma_wait3A_754 = arith.constant 0 : i32
    %dma_wait3A_755 = arith.constant 0 : i32
    %dma_wait3A_756 = tpu.memref_slice %arg7[%dma_wait3A_754, %dma_wait3A_755] : memref<100x128xf32, #tpu.memory_space<vmem_shared>> -> memref<100x128xf32, #tpu.memory_space<vmem_shared>>
    tpu.wait_indirect_dma semaphore(%arg11 : memref<!tpu.dma_semaphore, #tpu.memory_space<semaphore_mem>>) src(%dma_wait3A_756 : memref<100x128xf32, #tpu.memory_space<vmem_shared>>) dst(%dma_wait3A_746 : memref<128x128xf32, #tpu.memory_space<vmem>>)
    %mul3A_757 = arith.constant 128 : i32
    %mul3A_758 = arith.muli %add3A_721, %mul3A_757 : i32
    %add3A_759 = arith.addi %mul3A_2, %mul3A_758 : i32
    %dma_start3A_760 = arith.constant 3 : i32
    %dma_start3A_761 = arith.constant 0 : i32
    %dma_start3A_762 = arith.constant 0 : i32
    %dma_start3A_763 = tpu.memref_slice %arg6[%dma_start3A_760, %dma_start3A_761, %dma_start3A_762] : memref<4x128x128xf32, #tpu.memory_space<vmem>> -> memref<1x128x128xf32, #tpu.memory_space<vmem>>
    %dma_start3A_764 = tpu.memref_squeeze %dma_start3A_763 : memref<1x128x128xf32, #tpu.memory_space<vmem>> -> memref<128x128xf32, #tpu.memory_space<vmem>>
    %dma_start3A_765 = arith.constant 0 : i32
    %dma_start3A_766 = tpu.memref_slice %arg4[%add3A_759, %dma_start3A_765] : memref<3276800x128xf32, #tpu.memory_space<hbm>> -> memref<128x128xf32, #tpu.memory_space<hbm>>
    %dma_start3A_767 = arith.constant 0 : i32
    %dma_start3A_768 = tpu.memref_slice %arg4[%add3A_759, %dma_start3A_767] : memref<3276800x128xf32, #tpu.memory_space<hbm>> -> memref<128x128xf32, #tpu.memory_space<hbm>>
    %dma_start3A_769 = arith.constant 0 : i32
    %dma_start3A_770 = arith.constant 0 : i32
    %dma_start3A_771 = tpu.memref_slice %arg6[%dma_start3A_760, %dma_start3A_769, %dma_start3A_770] : memref<4x128x128xf32, #tpu.memory_space<vmem>> -> memref<1x128x128xf32, #tpu.memory_space<vmem>>
    %dma_start3A_772 = tpu.memref_squeeze %dma_start3A_771 : memref<1x128x128xf32, #tpu.memory_space<vmem>> -> memref<128x128xf32, #tpu.memory_space<vmem>>
    tpu.enqueue_dma source(%dma_start3A_772 : memref<128x128xf32, #tpu.memory_space<vmem>>) target(%dma_start3A_768 : memref<128x128xf32, #tpu.memory_space<hbm>>) target_semaphore(%arg15 : memref<!tpu.dma_semaphore, #tpu.memory_space<semaphore_mem>>)
    %scan3A_773 = arith.constant 1 : i32
    %add3A_774 = arith.constant 102016 : i32
    %add3A_775 = arith.addi %mul3A_2, %add3A_774 : i32
    %dma_wait3A_776 = arith.constant 1 : i32
    %dma_wait3A_777 = arith.constant 0 : i32
    %dma_wait3A_778 = arith.constant 0 : i32
    %dma_wait3A_779 = tpu.memref_slice %arg6[%dma_wait3A_776, %dma_wait3A_777, %dma_wait3A_778] : memref<4x128x128xf32, #tpu.memory_space<vmem>> -> memref<1x128x128xf32, #tpu.memory_space<vmem>>
    %dma_wait3A_780 = tpu.memref_squeeze %dma_wait3A_779 : memref<1x128x128xf32, #tpu.memory_space<vmem>> -> memref<128x128xf32, #tpu.memory_space<vmem>>
    %dma_wait3A_781 = arith.constant 0 : i32
    %dma_wait3A_782 = tpu.memref_slice %arg4[%add3A_775, %dma_wait3A_781] : memref<3276800x128xf32, #tpu.memory_space<hbm>> -> memref<128x128xf32, #tpu.memory_space<hbm>>
    %dma_wait3A_783 = arith.constant 0 : i32
    %dma_wait3A_784 = tpu.memref_slice %arg4[%add3A_775, %dma_wait3A_783] : memref<3276800x128xf32, #tpu.memory_space<hbm>> -> memref<128x128xf32, #tpu.memory_space<hbm>>
    %dma_wait3A_785 = arith.constant 0 : i32
    %dma_wait3A_786 = arith.constant 0 : i32
    %dma_wait3A_787 = tpu.memref_slice %arg6[%dma_wait3A_776, %dma_wait3A_785, %dma_wait3A_786] : memref<4x128x128xf32, #tpu.memory_space<vmem>> -> memref<1x128x128xf32, #tpu.memory_space<vmem>>
    %dma_wait3A_788 = tpu.memref_squeeze %dma_wait3A_787 : memref<1x128x128xf32, #tpu.memory_space<vmem>> -> memref<128x128xf32, #tpu.memory_space<vmem>>
    tpu.wait_dma2 semaphore(%arg13 : memref<!tpu.dma_semaphore, #tpu.memory_space<semaphore_mem>>) src(%dma_wait3A_788 : memref<128x128xf32, #tpu.memory_space<vmem>>) dst(%dma_wait3A_784 : memref<128x128xf32, #tpu.memory_space<hbm>>)
    %add3A_789 = arith.constant 102144 : i32
    %add3A_790 = arith.addi %mul3A_2, %add3A_789 : i32
    %dma_wait3A_791 = arith.constant 2 : i32
    %dma_wait3A_792 = arith.constant 0 : i32
    %dma_wait3A_793 = arith.constant 0 : i32
    %dma_wait3A_794 = tpu.memref_slice %arg6[%dma_wait3A_791, %dma_wait3A_792, %dma_wait3A_793] : memref<4x128x128xf32, #tpu.memory_space<vmem>> -> memref<1x128x128xf32, #tpu.memory_space<vmem>>
    %dma_wait3A_795 = tpu.memref_squeeze %dma_wait3A_794 : memref<1x128x128xf32, #tpu.memory_space<vmem>> -> memref<128x128xf32, #tpu.memory_space<vmem>>
    %dma_wait3A_796 = arith.constant 0 : i32
    %dma_wait3A_797 = tpu.memref_slice %arg4[%add3A_790, %dma_wait3A_796] : memref<3276800x128xf32, #tpu.memory_space<hbm>> -> memref<128x128xf32, #tpu.memory_space<hbm>>
    %dma_wait3A_798 = arith.constant 0 : i32
    %dma_wait3A_799 = tpu.memref_slice %arg4[%add3A_790, %dma_wait3A_798] : memref<3276800x128xf32, #tpu.memory_space<hbm>> -> memref<128x128xf32, #tpu.memory_space<hbm>>
    %dma_wait3A_800 = arith.constant 0 : i32
    %dma_wait3A_801 = arith.constant 0 : i32
    %dma_wait3A_802 = tpu.memref_slice %arg6[%dma_wait3A_791, %dma_wait3A_800, %dma_wait3A_801] : memref<4x128x128xf32, #tpu.memory_space<vmem>> -> memref<1x128x128xf32, #tpu.memory_space<vmem>>
    %dma_wait3A_803 = tpu.memref_squeeze %dma_wait3A_802 : memref<1x128x128xf32, #tpu.memory_space<vmem>> -> memref<128x128xf32, #tpu.memory_space<vmem>>
    tpu.wait_dma2 semaphore(%arg14 : memref<!tpu.dma_semaphore, #tpu.memory_space<semaphore_mem>>) src(%dma_wait3A_803 : memref<128x128xf32, #tpu.memory_space<vmem>>) dst(%dma_wait3A_799 : memref<128x128xf32, #tpu.memory_space<hbm>>)
    %add3A_804 = arith.constant 102272 : i32
    %add3A_805 = arith.addi %mul3A_2, %add3A_804 : i32
    %dma_wait3A_806 = arith.constant 3 : i32
    %dma_wait3A_807 = arith.constant 0 : i32
    %dma_wait3A_808 = arith.constant 0 : i32
    %dma_wait3A_809 = tpu.memref_slice %arg6[%dma_wait3A_806, %dma_wait3A_807, %dma_wait3A_808] : memref<4x128x128xf32, #tpu.memory_space<vmem>> -> memref<1x128x128xf32, #tpu.memory_space<vmem>>
    %dma_wait3A_810 = tpu.memref_squeeze %dma_wait3A_809 : memref<1x128x128xf32, #tpu.memory_space<vmem>> -> memref<128x128xf32, #tpu.memory_space<vmem>>
    %dma_wait3A_811 = arith.constant 0 : i32
    %dma_wait3A_812 = tpu.memref_slice %arg4[%add3A_805, %dma_wait3A_811] : memref<3276800x128xf32, #tpu.memory_space<hbm>> -> memref<128x128xf32, #tpu.memory_space<hbm>>
    %dma_wait3A_813 = arith.constant 0 : i32
    %dma_wait3A_814 = tpu.memref_slice %arg4[%add3A_805, %dma_wait3A_813] : memref<3276800x128xf32, #tpu.memory_space<hbm>> -> memref<128x128xf32, #tpu.memory_space<hbm>>
    %dma_wait3A_815 = arith.constant 0 : i32
    %dma_wait3A_816 = arith.constant 0 : i32
    %dma_wait3A_817 = tpu.memref_slice %arg6[%dma_wait3A_806, %dma_wait3A_815, %dma_wait3A_816] : memref<4x128x128xf32, #tpu.memory_space<vmem>> -> memref<1x128x128xf32, #tpu.memory_space<vmem>>
    %dma_wait3A_818 = tpu.memref_squeeze %dma_wait3A_817 : memref<1x128x128xf32, #tpu.memory_space<vmem>> -> memref<128x128xf32, #tpu.memory_space<vmem>>
    tpu.wait_dma2 semaphore(%arg15 : memref<!tpu.dma_semaphore, #tpu.memory_space<semaphore_mem>>) src(%dma_wait3A_818 : memref<128x128xf32, #tpu.memory_space<vmem>>) dst(%dma_wait3A_814 : memref<128x128xf32, #tpu.memory_space<hbm>>)
    return
  }
}

module attributes {stable_mosaic.version = 14 : i64} {
  func.func @_mask_body(%arg0: i32, %arg1: memref<1024x200xf32, #tpu.memory_space<vmem>>) attributes {dimension_semantics = [#tpu.dimension_semantics<arbitrary>], iteration_bounds = array<i64: 16>, scalar_prefetch = 0 : i64, scratch_operands = 0 : i64, tpu.core_type = #tpu.core_type<tc>, window_params = [{transform_indices = @transform_0, window_bounds = array<i64: 1024, 200>}]} {
    %broadcast_in_dim3A = arith.constant 1.000000e+00 : f32
    %broadcast_in_dim3A_0 = vector.broadcast %broadcast_in_dim3A : f32 to vector<1024x200xf32>
    %swap3A = arith.constant 0 : index
    %swap3A_1 = arith.constant 0 : index
    %swap3A_2 = vector.load %arg1[%swap3A, %swap3A_1] : memref<1024x200xf32, #tpu.memory_space<vmem>>, vector<1024x200xf32>
    tpu.vector_store %arg1[%swap3A, %swap3A_1], %broadcast_in_dim3A_0 {strides = array<i32>} : memref<1024x200xf32, #tpu.memory_space<vmem>>, vector<1024x200xf32>,
    return
  }
  func.func @transform_0(%arg0: i32) -> (i32, i32) {
    %c0_i32 = arith.constant 0 : i32
    %c0_i32_0 = arith.constant 0 : i32
    return %arg0, %c0_i32 : i32, i32
  }
}

</mosaic_0001>

<sc_bundles>
// kernel: kernel.4.cloned.1.call-start
scs
__scs_entry_jumppad:
0x0: {  	(pc) =	sbr.rel $0x88, $3  }
0x1: {  	(tag) =	ssettag $0x0;
	lr =	simm.s32 $0x1  }
0x2: {  	[smem:$0x3F9F] =	sst lr;
	_ =	strace $0xD0000000  }
0x3: {  	_ = 	snop  }
0x4: {  	_ = 	snop  }
0x5: {  	_ = 	snop  }
0x6: {  	_ = 	snop  }
0x7: {  	_ = 	snop  }
__scs_overlays_trampoline_lowered:
0x8: {  	[smem:$0x3FAE] =	sst s0  }
0x9: {  	[smem:$0x3FAF] =	sst s1  }
0xa: {  	[smem:$0x3FB0] =	sst s2  }
0xb: {  	[smem:$0x3FB1] =	sst s3  }
0xc: {  	[smem:$0x3FB2] =	sst s4  }
0xd: {  	[smem:$0x3FB3] =	sst s5  }
0xe: {  	[smem:$0x3FB4] =	sst s6  }
0xf: {  	[smem:$0x3FB5] =	sst s7  }
0x10: {  	[smem:$0x3FB6] =	sst s8  }
0x11: {  	[smem:$0x3FB7] =	sst s9;
	s0 =	simm.s32 @!p0 $0x0  }
0x12: {  	s1 =	sld [smem:$0x3F9D];
	s0 =	simm.s32 @p0 $0x1  }
0x13: {  	[smem:$0x3FB8] =	sst s0;
	s0 =	simm.s32 @!p1 $0x0  }
0x14: {  	s2 =	sld [smem:$0x3F9C];
	s0 =	simm.s32 @p1 $0x1  }
0x15: {  	[smem:$0x3FB9] =	sst s0;
	s0 =	simm.s32 @!p2 $0x0  }
0x16: {  	s3 =	sld [smem:$0x3FDB];
	s0 =	simm.s32 @p2 $0x1  }
0x17: {  	s4 =	simm.s32 $0x1BF5;
	[smem:$0x3FBB] =	sst s0  }
0x18: {  	s0 =	sld [smem:$0x3F9E];
	_ =	swait.ge [sflag:s4], $0x0  }
0x19: {  	s7 =	sld [smem:$0x3F9F]  }
0x1a: {  	s8 =	sadd.s32 $0xFFFFE003, lr  }
0x1b: {  	s9 =	sadd.s32 $0xFFFFFEF7, lr;
	s5 =	simm.s32 $0xFFFFFFFF;
	p2 =	slt.u32 s8, $0xFFFFF086  }
0x1c: {  	p1 =	slt.u32 s9, $0xF7A;
	s5 =	simm.s32 @!p2 $0x0  }
0x1d: {  	s5 =	simm.s32 @p1 $0x1;
	p0 =	seq.s32 s7, s2  }
0x1e: {  	s7 =	smul.u32 @!p0 $0xF7A, s2;
	p2 =	seq.s32 @!p0 s5, $0x0  }
0x1f: {  	s9 =	smul.u32 $0xF7A, s1;
	s8 =	simm.s32 @!p0 $0x1BF5;
	p2 =	por !p2, p0  }
0x20: {  	[sflag:s8] =	ssyncset.s32 @!p0 $0xFFFFF086;
	s6 =	sadd.s32 @!p0 s3, s7;
	s7 =	simm.s32 @!p0 $0x108  }
0x21: {  	s3 =	sadd.s32 s3, s9;
	s6 =	sadd.s32 @!p0 $0x88, s6;
	s7 =	simm.s32 @p2 $0x1082  }
0x22: {  	[simem:s7], [sflag:s8] =	dma.local @!p0 [hbm:s6], $0xF7A  }
0x23: {  	s9 =	sor.u32 $0xD0000000, s2;
	s6 =	simm.s32 $0x108;
	_ =	swait.ge @!p0 [sflag:s8], $0x0  }
0x24: {  	s3 =	sadd.s32 $0x88, s3;
	s6 =	simm.s32 @!p1 $0x1082;
	[sflag:s4] =	ssyncset.s32 $0xFFFFF086  }
0x25: {  	[simem:s6], [sflag:s4] =	dma.local [hbm:s3], $0xF7A  }
0x26: {  	[smem:$0x3F9F] =	sst s1;
	(tag) =	ssettag s2;
	_ =	strace s9  }
0x27: {  	s1 =	sld [smem:$0x3FAF]  }
0x28: {  	s2 =	sld [smem:$0x3FB0]  }
0x29: {  	s4 =	sld [smem:$0x3FB2]  }
0x2a: {  	p0 =	seq.s32 s5, $0x0;
	s5 =	sld [smem:$0x3FB3]  }
0x2b: {  	s6 =	sld [smem:$0x3FB4]  }
0x2c: {  	s7 =	sld [smem:$0x3FB5]  }
0x2d: {  	s3 =	simm.s32 $0x108;
	s8 =	sld [smem:$0x3FB6]  }
0x2e: {  	s3 =	simm.s32 @!p0 $0x1082;
	s9 =	sld [smem:$0x3FB7]  }
0x2f: {  	lr =	sadd.s32 s0, s3;
	s0 =	sld [smem:$0x3FAE]  }
0x30: {  	s3 =	sld [smem:$0x3FB1]  }
0x31: {  	[smem:$0x3FBA] =	sst s10  }
0x32: {  	s10 =	sld [smem:$0x3FB8];
	_ =	sdelay $0x3  }
0x33: {  	p0 =	seq.s32 s10, $0x1;
	s10 =	sld [smem:$0x3FBA];
	_ =	sdelay $0x3  }
0x34: {  	[smem:$0x3FBA] =	sst s10  }
0x35: {  	s10 =	sld [smem:$0x3FB9];
	_ =	sdelay $0x3  }
0x36: {  	p1 =	seq.s32 s10, $0x1;
	s10 =	sld [smem:$0x3FBA];
	_ =	sdelay $0x3  }
0x37: {  	[smem:$0x3FBA] =	sst s10  }
0x38: {  	s10 =	sld [smem:$0x3FBB]  }
0x39: {  	_ = 	snop;
	(pc) =	sbr.ind lr, $3  }
0x3a: {  	_ = 	snop  }
0x3b: {  	_ = 	snop  }
0x3c: {  	p2 =	seq.s32 s10, $0x1;
	s10 =	sld [smem:$0x3FBA]  }
0x3d: {  	_ =	shalt  }
0x3e: {  	_ =	shalt  }
0x3f: {  	_ =	shalt  }
0x40: {  	_ =	shalt  }
0x41: {  	_ =	shalt  }
0x42: {  	_ =	shalt  }
0x43: {  	_ =	shalt  }
0x44: {  	_ =	shalt  }
0x45: {  	_ =	shalt  }
0x46: {  	_ =	shalt  }
0x47: {  	_ =	shalt  }
0x48: {  	_ =	shalt  }
0x49: {  	_ =	shalt  }
0x4a: {  	_ =	shalt  }
0x4b: {  	_ =	shalt  }
0x4c: {  	_ =	shalt  }
0x4d: {  	_ =	shalt  }
0x4e: {  	_ =	shalt  }
0x4f: {  	_ =	shalt  }
0x50: {  	_ =	shalt  }
0x51: {  	_ =	shalt  }
0x52: {  	_ =	shalt  }
0x53: {  	_ =	shalt  }
0x54: {  	_ =	shalt  }
0x55: {  	_ =	shalt  }
0x56: {  	_ =	shalt  }
0x57: {  	_ =	shalt  }
0x58: {  	_ =	shalt  }
0x59: {  	_ =	shalt  }
0x5a: {  	_ =	shalt  }
0x5b: {  	_ =	shalt  }
0x5c: {  	_ =	shalt  }
0x5d: {  	_ =	shalt  }
0x5e: {  	_ =	shalt  }
0x5f: {  	_ =	shalt  }
0x60: {  	_ =	shalt  }
0x61: {  	_ =	shalt  }
0x62: {  	_ =	shalt  }
0x63: {  	_ =	shalt  }
0x64: {  	_ =	shalt  }
0x65: {  	_ =	shalt  }
0x66: {  	_ =	shalt  }
0x67: {  	_ =	shalt  }
0x68: {  	_ =	shalt  }
0x69: {  	_ =	shalt  }
0x6a: {  	_ =	shalt  }
0x6b: {  	_ =	shalt  }
0x6c: {  	_ =	shalt  }
0x6d: {  	_ =	shalt  }
0x6e: {  	_ =	shalt  }
0x6f: {  	_ =	shalt  }
0x70: {  	_ =	shalt  }
0x71: {  	_ =	shalt  }
0x72: {  	_ =	shalt  }
0x73: {  	_ =	shalt  }
0x74: {  	_ =	shalt  }
0x75: {  	_ =	shalt  }
0x76: {  	_ =	shalt  }
0x77: {  	_ =	shalt  }
0x78: {  	_ =	shalt  }
0x79: {  	_ =	shalt  }
0x7a: {  	_ =	shalt  }
0x7b: {  	_ =	shalt  }
0x7c: {  	_ =	shalt  }
0x7d: {  	_ =	shalt  }
0x7e: {  	_ =	shalt  }
0x7f: {  	_ =	shalt  }
0x80: {  	_ =	shalt  }
0x81: {  	_ =	shalt  }
0x82: {  	_ =	shalt  }
0x83: {  	_ =	shalt  }
0x84: {  	_ =	shalt  }
0x85: {  	_ =	shalt  }
0x86: {  	_ =	shalt  }
0x87: {  	_ =	shalt  }
.Lfunc_end0:
.L_simem_size_0:
called_computation_lowered:
.L_overlay_start_0:
0x88: {  	s2 =	sld [smem:$0x3FD9]  }
0x89: {  	s3 =	sld [smem:$0x3FFE];
	_ =	sdelay $0x1  }
0x8a: {  	s1 =	srdreg.scid  }
0x8b: {  	s0 =	sand.u32 $0x1, s1  }
0x8c: {  	s14 =	sshll.u32 s0, $0xA;
	s2 =	sadd.s32 s3, s2  }
0x8d: {  	s2 =	sadd.s32 s2, s14  }
0x8e: {  	[smem:$0x3FC6] =	sst s2  }
0x8f: {  	_ = 	snop  }
0x90: {  	s2 =	sld [smem:$0x3FD0];
	_ =	sdelay $0x2  }
0x91: {  	s4 =	simm.s32 $0xA;
	s5 =	simm.s32 $0x10;
	s15 =	sld [smem:$0x3FC8]  }
0x92: {  	[smem:s5], [sflag:s4] =	dma.local [hbm:s2], $0x1  }
0x93: {  	_ =	swait.eq [sflag:s4], $0x1  }
0x94: {  	[sflag:s4] =	ssyncset.done $0x0  }
0x95: {  	[sflag:s4] =	ssyncadd.s32 $0xFFFFFFFF  }
0x96: {  	s16 =	sld [smem:$0x10];
	(tm) =	ssettm $0x1  }
0x97: {  	s17 =	sld [smem:$0x3FFB];
	_ =	sdelay $0x3  }
0x98: {  	_ =	strace s17  }
0x99: {  	s4 =	sld [smem:$0x3FFC];
	_ =	sdelay $0x3  }
0x9a: {  	_ =	strace s4  }
0x9b: {  	s4 =	sld [smem:$0x3FFD];
	_ =	sdelay $0x3  }
0x9c: {  	_ =	strace s4  }
0x9d: {  	_ =	strace $0x8FFFFFFF  }
0x9e: {  	s18 =	sld [smem:$0x3FDB];
	_ =	sdelay $0x1  }
0x9f: {  	s19 =	simm.s32 $_scs_section_size  }
0xa0: {  	s6 =	simm.s32 $_size__tile_overlayer_lowered;
	s7 =	simm.s32 $_tile_overlayer_lowered  }
0xa1: {  	s22 =	simm.s32 $0x1BFF;
	s21 =	sshll.u32 s7, $0x1;
	s4 =	sadd.s32 s19, s18  }
0xa2: {  	s8 =	simm.s32 $0x0;
	s20 =	sshll.u32 s6, $0x1;
	s6 =	sadd.s32 s21, s4  }
0xa3: {  	[timem:s8], [sflag:s22] =	dma.local [hbm:s6], s20  }
0xa4: {  	_ =	swait.ge [sflag:s22], s20  }
0xa5: {  	s5 =	ssub.s32 $0x0, s20;
	[sflag:s22] =	ssyncset.done $0x0  }
0xa6: {  	[sflag:s22] =	ssyncadd.s32 s5;
	_ =	sdelay $0x1  }
0xa7: {  	s23 =	simm.s32 $0x1B8B  }
0xa8: {  	_ =	swait.ge [sflag:s23], $0x1  }
0xa9: {  	[sflag:s23] =	ssyncset.done $0x0  }
0xaa: {  	s25 =	simm.s32 $0x1B8E;
	s24 =	sld [smem:$0x3FFE];
	[sflag:s23] =	ssyncadd.s32 $0xFFFFFFFF  }
0xab: {  	s26 =	simm.s32 $execute0_lowered;
	[smem:$0x3FD2] =	sst s25  }
0xac: {  	s6 =	sshll.u32 s26, $0x1;
	_ =	strace $0x80000046;
	[dreg:$0x1] =	wrdreg $0xFFFFFFFF  }
0xad: {  	s28 =	simm.s32 $_size_execute0_lowered;
	s4 =	sadd.s32 s4, s6;
	[dreg:$0x0] =	wrdreg $0x0  }
0xae: {  	s6 =	sshll.u32 s28, $0x1;
	[dreg:$0x2] =	wrdreg s4  }
0xaf: {  	[dreg:$0x3] =	wrdreg s6  }
0xb0: {  	[dreg:$0x4] =	wrdreg $0xC0  }
0xb1: {  	_ =	task [dreg:s8], $0x5FFFF  }
0xb2: {  	[dreg:$0x1] =	wrdreg $0xFFFFFFFF  }
0xb3: {  	[dreg:$0x0] =	wrdreg $0x60  }
0xb4: {  	[dreg:$0x2] =	wrdreg s24  }
0xb5: {  	[dreg:$0x3] =	wrdreg s15  }
0xb6: {  	[dreg:$0x4] =	wrdreg s16  }
0xb7: {  	[dreg:$0x5] =	wrdreg $0x1C8000  }
0xb8: {  	[dreg:$0x6] =	wrdreg $0x9  }
0xb9: {  	_ =	task.clear_ibuf [dreg:s8], $0x7FFFF;
	_ =	strace $0x90000046  }
0xba: {  	s29 =	simm.s32 $0x9;
	_ =	strace $0x80000048  }
0xbb: {  	_ =	swait.ge [sflag:s29], $0x1  }
0xbc: {  	[sflag:s29] =	ssyncadd.s32 $0xFFFFFFFF  }
0xbd: {  	_ =	strace $0x90000048  }
0xbe: {  	_ =	sfence  }
0xbf: {  	s30 =	sld [smem:$0x0];
	_ =	sdelay $0x2  }
0xc0: {  	s31 =	sshll.u32 s1, $0xD;
	s1 =	sshrl.u32 s1, $0x2  }
0xc1: {  	s3 =	sand.u32 $0x4000, s31;
	s1 =	sadd.s32 s1, s30  }
0xc2: {  	s0 =	sor.u32 s3, s0;
	s1 =	sshll.u32 s1, $0x11  }
0xc3: {  	s0 =	sor.u32 s1, s0  }
0xc4: {  	s0 =	sadd.s32 $0x8F2B, s0  }
0xc5: {  	[sflag:s0] =	ssyncadd.remote.s32 $0x1  }
0xc6: {  	_ =	sfence.sel $0xFFFF  }
0xc7: {  	[dreg:$0x0] =	wrdreg $0xFFFFFFFF;
	(pc) =	sbr.abs _section_cstart, $3  }
0xc8: {  	[dreg:$0x1] =	wrdreg $0xFFFFFFFF  }
0xc9: {  	_ =	task.clear_ibuf [dreg:s8], $0x2FFFF;
	_ =	strace $0x9FFFFFFF  }
0xca: {  	(tm) =	ssettm $0x7FFFFFFF  }
0xcb: {  	_ =	shalt  }
tec
execute0_lowered:
.L_overlay_start_1:
0x0: {  	(tag) =	ssettag $0x1  }
0x1: {  	s0 =	rddreg [dreg:$0x0]  }
0x2: {  	s1 =	rddreg [dreg:$0x2]  }
0x3: {  	s3 =	srdreg.scid;
	s5 =	stileid.u32  }
0x4: {  	s2 =	rddreg [dreg:$0x3];
	s28 =	simm.s32 $0x1;
	s20 =	smul.u32 $0x1900000, s5  }
0x5: {  	s30 =	simm.s32 $0x14800;
	s6 =	sand.u32 $0x1, s3;
	s25 =	smul.u32 $0x320000, s5  }
0x6: {  	s31 =	simm.s32 $0x2;
	s4 =	sshll.u32 s5, $0x1;
	s22 =	smul.u32 $0xC80000, s6  }
0x7: {  	s4 =	sor.u32 s6, s4;
	s7 =	ssub.s32 $0x2, s6;
	s6 =	smul.u32 $0x190000, s6  }
0x8: {  	s29 =	simm.s32 $0x3;
	s3 =	simm.s32 $0x0;
	s8 =	smul.u32 $0x190000, s4  }
0x9: {  	s0 =	sadd.s32 $0x400, s0;
	p0 =	sne.s32 s5, $0x0;
	s10 =	smul.u32 $0xC80000, s4  }
0xa: {  	s5 =	simm.s32 $0x4;
	[smem:$0x7FF] =	sst s3;
	s26 =	smul.u32 $0x3200, s4  }
0xb: {  	_ =	strace $0x80000047;
	s9 =	sshrl.u32 s7, $0x1;
	s11 =	smul.u32 $0x19000, s4  }
0xc: {  	s7 =	ssub.s32 s7, s9;
	s4 =	sadd.s32 s1, s8;
	s9 =	sadd.s32 s0, s26  }
0xd: {  	s10 =	sshrl.u32 s10, $0x3;
	[dreg:$0x5] =	wrdreg s9;
	s12 =	sadd.s32 $0x800, s4  }
0xe: {  	s18 =	sshrl.u32 s11, $0x3;
	s13 =	sadd.s32 $0x1000, s4;
	[dreg:$0x6] =	wrdreg s12  }
0xf: {  	s8 =	sadd.s32 s1, s10;
	s14 =	sadd.s32 $0x1800, s4;
	[dreg:$0x7] =	wrdreg s13  }
0x10: {  	s26 =	sadd.s32 s25, s1;
	[dreg:$0x8] =	wrdreg s14;
	s15 =	sadd.s32 $0xC6000, s8  }
0x11: {  	s25 =	simm.s32 $0xC800;
	s16 =	sadd.s32 $0xC6800, s8;
	[dreg:$0x9] =	wrdreg s15  }
0x12: {  	s11 =	simm.s32 $0xC780;
	s17 =	sadd.s32 $0xC7000, s8;
	[dreg:$0xa] =	wrdreg s16  }
0x13: {  	s0 =	sadd.s32 s0, s18;
	s19 =	sadd.s32 $0xC7800, s8;
	[dreg:$0xb] =	wrdreg s17  }
0x14: {  	s18 =	smax.u32 s7, $0x1;
	s0 =	sadd.s32 $0x1900, s0;
	[dreg:$0xc] =	wrdreg s19  }
0x15: {  	s7 =	simm.s32 $0x7;
	s21 =	sadd.s32 $0x18E000, s8;
	[dreg:$0xd] =	wrdreg s0  }
0x16: {  	s9 =	simm.s32 $0xC680;
	s23 =	sadd.s32 $0x18E800, s8;
	[dreg:$0xe] =	wrdreg s21  }
0x17: {  	s10 =	simm.s32 $0xC700;
	s24 =	sadd.s32 $0x18F000, s8;
	[dreg:$0xf] =	wrdreg s23  }
0x18: {  	s8 =	sadd.s32 $0x18F800, s8;
	s12 =	simm.s32 $0x0;
	[dreg:$0x10] =	wrdreg s24  }
0x19: {  	[dreg:$0x11] =	wrdreg s8;
	s0 =	sadd.s32 s22, s20;
	s19 =	sadd.s32 s6, s26  }
0x1a: {  	s22 =	sshrl.u32 @!p0 s2, $0x3;
	s23 =	simm.s32 $0x9;
	s24 =	simm.s32 $0x80  }
0x1b: {  	s26 =	simm.s32 $0x10800;
	s6 =	simm.s32 $0x6;
	s0 =	sor.u32 $0x10000, s0  }
0x1c: {  	s8 =	simm.s32 $0x8;
	s15 =	sadd.s32 $0xC9800, s19;
	s0 =	sshrl.u32 s0, $0x3  }
0x1d: {  	s20 =	sadd.s32 s0, s1;
	s0 =	simm.s32 $0x18800;
	s1 =	simm.s32 $0x5  }
.LBB2_1:
0x1e: {  	s13 =	simm.s32 @!p0 $0x1C09;
	s14 =	rddreg [dreg:$0x1]  }
0x1f: {  	[spmem:s22], [sflag:s13] =	dma.local @!p0 [hbm:s14], $0x640  }
0x20: {  	s13 =	simm.s32 @!p0 $0x9  }
0x21: {  	_ =	swait.ge @!p0 [sflag:s13], $0x640  }
0x22: {  	[sflag:s13] =	ssyncset.done @!p0 $0x0  }
0x23: {  	[sflag:s13] =	ssyncadd.s32 @!p0 $0xFFFFF9C0  }
0x24: {  	[bflag:$0x0] =	sbarrier.arrive $0xFFFF  }
0x25: {  	s16 =	rddreg [dreg:$0x5]  }
0x26: {  	[tilespmem:s3], [sflag:$0x9] =	stream.linear.gather [hbm4b:s16+s3], $0xC800, $0x38;
	[tilespmem:$0x1CB20] =	vst v63  }
0x27: {  	_ =	swait.ge [sflag:s23], $0xC800  }
0x28: {  	[sflag:s23] =	ssyncset.done $0x0  }
0x29: {  	[sflag:s23] =	ssyncadd.s32 $0xFFFF3800  }
0x2a: {  	[tilespmem:s25], [sflag:$0x1] =	stream.indirect.gather [spmem:s2], $0x80, s3, s24, $0xb8;
	[tilespmem:$0x1CB20] =	vst v63  }
0x2b: {  	_ = 	snop  }
0x2c: {  	[tilespmem:s26], [sflag:$0x2] =	stream.indirect.gather [spmem:s2], $0x80, s24, s24, $0xb8;
	[tilespmem:$0x1CB20] =	vst v63  }
0x2d: {  	_ =	swait.ge [sflag:s28], $0x4000  }
0x2e: {  	[sflag:s28] =	ssyncset.done $0x0  }
0x2f: {  	[sflag:s28] =	ssyncadd.s32 $0xFFFFC000  }
0x30: {  	[hbm4b:s4+s3] =	stream.linear.scatter [tilespmem:s25], [sflag:$0x5], $0x4000, $0x38;
	[tilespmem:$0x1CB20] =	vst v63  }
0x31: {  	s17 =	simm.s32 $0x100  }
0x32: {  	[tilespmem:s30], [sflag:$0x3] =	stream.indirect.gather [spmem:s2], $0x80, s17, s24, $0xb8;
	[tilespmem:$0x1CB20] =	vst v63  }
0x33: {  	_ =	swait.ge [sflag:s31], $0x4000  }
0x34: {  	[sflag:s31] =	ssyncset.done $0x0  }
0x35: {  	s21 =	rddreg [dreg:$0x6];
	[sflag:s31] =	ssyncadd.s32 $0xFFFFC000  }
0x36: {  	[hbm4b:s21+s3] =	stream.linear.scatter [tilespmem:s26], [sflag:$0x6], $0x4000, $0x38;
	[tilespmem:$0x1CB20] =	vst v63  }
0x37: {  	s14 =	simm.s32 $0x180  }
0x38: {  	[tilespmem:s0], [sflag:$0x4] =	stream.indirect.gather [spmem:s2], $0x80, s14, s24, $0xb8;
	[tilespmem:$0x1CB20] =	vst v63  }
0x39: {  	_ =	swait.ge [sflag:s29], $0x4000  }
0x3a: {  	[sflag:s29] =	ssyncset.done $0x0  }
0x3b: {  	s16 =	rddreg [dreg:$0x7];
	[sflag:s29] =	ssyncadd.s32 $0xFFFFC000  }
0x3c: {  	[hbm4b:s16+s3] =	stream.linear.scatter [tilespmem:s30], [sflag:$0x7], $0x4000, $0x38;
	[tilespmem:$0x1CB20] =	vst v63  }
0x3d: {  	_ =	swait.ge [sflag:s1], $0x4000  }
0x3e: {  	[sflag:s1] =	ssyncset.done $0x0  }
0x3f: {  	s17 =	simm.s32 $0x200;
	[sflag:s1] =	ssyncadd.s32 $0xFFFFC000  }
0x40: {  	[tilespmem:s25], [sflag:$0x1] =	stream.indirect.gather [spmem:s2], $0x80, s17, s24, $0xb8;
	[tilespmem:$0x1CB20] =	vst v63  }
0x41: {  	_ =	swait.ge [sflag:s5], $0x4000  }
0x42: {  	[sflag:s5] =	ssyncset.done $0x0  }
0x43: {  	s21 =	rddreg [dreg:$0x8];
	[sflag:s5] =	ssyncadd.s32 $0xFFFFC000  }
0x44: {  	[hbm4b:s21+s3] =	stream.linear.scatter [tilespmem:s0], [sflag:$0x8], $0x4000, $0x38;
	[tilespmem:$0x1CB20] =	vst v63  }
0x45: {  	_ =	swait.ge [sflag:s6], $0x4000  }
0x46: {  	[sflag:s6] =	ssyncset.done $0x0  }
0x47: {  	s14 =	simm.s32 $0x280;
	[sflag:s6] =	ssyncadd.s32 $0xFFFFC000  }
0x48: {  	[tilespmem:s26], [sflag:$0x2] =	stream.indirect.gather [spmem:s2], $0x80, s14, s24, $0xb8;
	[tilespmem:$0x1CB20] =	vst v63  }
0x49: {  	_ =	swait.ge [sflag:s28], $0x4000  }
0x4a: {  	[sflag:s28] =	ssyncset.done $0x0  }
0x4b: {  	s16 =	sadd.s32 $0x0, s20;
	[sflag:s28] =	ssyncadd.s32 $0xFFFFC000  }
0x4c: {  	[hbm4b:s16+s3] =	stream.linear.scatter [tilespmem:s25], [sflag:$0x5], $0x4000, $0x38;
	[tilespmem:$0x1CB20] =	vst v63  }
0x4d: {  	_ =	swait.ge [sflag:s7], $0x4000  }
0x4e: {  	[sflag:s7] =	ssyncset.done $0x0  }
0x4f: {  	s17 =	simm.s32 $0x300;
	[sflag:s7] =	ssyncadd.s32 $0xFFFFC000  }
0x50: {  	[tilespmem:s30], [sflag:$0x3] =	stream.indirect.gather [spmem:s2], $0x80, s17, s24, $0xb8;
	[tilespmem:$0x1CB20] =	vst v63  }
0x51: {  	_ =	swait.ge [sflag:s31], $0x4000  }
0x52: {  	s14 =	sadd.s32 $0x0, s19;
	[sflag:s31] =	ssyncset.done $0x0  }
0x53: {  	s21 =	sadd.s32 $0x2800, s14;
	[sflag:s31] =	ssyncadd.s32 $0xFFFFC000  }
0x54: {  	[hbm4b:s21+s3] =	stream.linear.scatter [tilespmem:s26], [sflag:$0x6], $0x4000, $0x38;
	[tilespmem:$0x1CB20] =	vst v63  }
0x55: {  	_ =	swait.ge [sflag:s8], $0x4000  }
0x56: {  	[sflag:s8] =	ssyncset.done $0x0  }
0x57: {  	s16 =	simm.s32 $0x380;
	[sflag:s8] =	ssyncadd.s32 $0xFFFFC000  }
0x58: {  	[tilespmem:s0], [sflag:$0x4] =	stream.indirect.gather [spmem:s2], $0x80, s16, s24, $0xb8;
	[tilespmem:$0x1CB20] =	vst v63  }
0x59: {  	_ =	swait.ge [sflag:s29], $0x4000  }
0x5a: {  	[sflag:s29] =	ssyncset.done $0x0  }
0x5b: {  	s17 =	sadd.s32 $0x3000, s14;
	[sflag:s29] =	ssyncadd.s32 $0xFFFFC000  }
0x5c: {  	[hbm4b:s17+s3] =	stream.linear.scatter [tilespmem:s30], [sflag:$0x7], $0x4000, $0x38;
	[tilespmem:$0x1CB20] =	vst v63  }
0x5d: {  	_ =	swait.ge [sflag:s1], $0x4000  }
0x5e: {  	[sflag:s1] =	ssyncset.done $0x0  }
0x5f: {  	s21 =	simm.s32 $0x400;
	[sflag:s1] =	ssyncadd.s32 $0xFFFFC000  }
0x60: {  	[tilespmem:s25], [sflag:$0x1] =	stream.indirect.gather [spmem:s2], $0x80, s21, s24, $0xb8;
	[tilespmem:$0x1CB20] =	vst v63  }
0x61: {  	_ =	swait.ge [sflag:s5], $0x4000  }
0x62: {  	s13 =	simm.s32 $0x2000;
	[sflag:s5] =	ssyncset.done $0x0  }
0x63: {  	s21 =	sadd.s32 $0x3800, s14;
	s14 =	simm.s32 $0x600;
	[sflag:s5] =	ssyncadd.s32 $0xFFFFC000  }
.LBB2_2:
0x64: {  	[hbm4b:s21+s3] =	stream.linear.scatter [tilespmem:s0], [sflag:$0x8], $0x4000, $0x38;
	[tilespmem:$0x1CB20] =	vst v63  }
0x65: {  	s21 =	smov.u32 s13  }
0x66: {  	p1 =	sne.s32 s13, $0xC2000;
	s13 =	sadd.s32 $0x2000, s13;
	_ =	swait.ge [sflag:s6], $0x4000  }
0x67: {  	[sflag:s6] =	ssyncset.done $0x0  }
0x68: {  	s16 =	sadd.s32 $0xFFFFFE80, s14;
	[sflag:s6] =	ssyncadd.s32 $0xFFFFC000  }
0x69: {  	[tilespmem:s26], [sflag:$0x2] =	stream.indirect.gather [spmem:s2], $0x80, s16, s24, $0xb8;
	[tilespmem:$0x1CB20] =	vst v63  }
0x6a: {  	_ =	swait.ge [sflag:s28], $0x4000  }
0x6b: {  	[sflag:s28] =	ssyncset.done $0x0  }
0x6c: {  	s16 =	sadd.s32 s21, s20;
	[sflag:s28] =	ssyncadd.s32 $0xFFFFC000  }
0x6d: {  	[hbm4b:s16+s3] =	stream.linear.scatter [tilespmem:s25], [sflag:$0x5], $0x4000, $0x38;
	[tilespmem:$0x1CB20] =	vst v63  }
0x6e: {  	_ =	swait.ge [sflag:s7], $0x4000  }
0x6f: {  	[sflag:s7] =	ssyncset.done $0x0  }
0x70: {  	s16 =	sadd.s32 $0xFFFFFF00, s14;
	[sflag:s7] =	ssyncadd.s32 $0xFFFFC000  }
0x71: {  	[tilespmem:s30], [sflag:$0x3] =	stream.indirect.gather [spmem:s2], $0x80, s16, s24, $0xb8;
	[tilespmem:$0x1CB20] =	vst v63  }
0x72: {  	_ =	swait.ge [sflag:s31], $0x4000  }
0x73: {  	s16 =	sadd.s32 s21, s19;
	[sflag:s31] =	ssyncset.done $0x0  }
0x74: {  	s21 =	sadd.s32 $0x2800, s16;
	[sflag:s31] =	ssyncadd.s32 $0xFFFFC000  }
0x75: {  	[hbm4b:s21+s3] =	stream.linear.scatter [tilespmem:s26], [sflag:$0x6], $0x4000, $0x38;
	[tilespmem:$0x1CB20] =	vst v63  }
0x76: {  	_ =	swait.ge [sflag:s8], $0x4000  }
0x77: {  	[sflag:s8] =	ssyncset.done $0x0  }
0x78: {  	s21 =	sadd.s32 $0xFFFFFF80, s14;
	[sflag:s8] =	ssyncadd.s32 $0xFFFFC000  }
0x79: {  	[tilespmem:s0], [sflag:$0x4] =	stream.indirect.gather [spmem:s2], $0x80, s21, s24, $0xb8;
	[tilespmem:$0x1CB20] =	vst v63  }
0x7a: {  	_ =	swait.ge [sflag:s29], $0x4000  }
0x7b: {  	[sflag:s29] =	ssyncset.done $0x0  }
0x7c: {  	s21 =	sadd.s32 $0x3000, s16;
	[sflag:s29] =	ssyncadd.s32 $0xFFFFC000  }
0x7d: {  	[hbm4b:s21+s3] =	stream.linear.scatter [tilespmem:s30], [sflag:$0x7], $0x4000, $0x38;
	[tilespmem:$0x1CB20] =	vst v63  }
0x7e: {  	_ =	swait.ge [sflag:s1], $0x4000  }
0x7f: {  	[sflag:s1] =	ssyncset.done $0x0  }
.Ltmp0:
0x80: {  	[sflag:s1] =	ssyncadd.s32 $0xFFFFC000;
	(pc) =	sbr.rel @p1 .LBB2_2-.Ltmp0, $4  }
0x81: {  	[tilespmem:s25], [sflag:$0x1] =	stream.indirect.gather [spmem:s2], $0x80, s14, s24, $0xb8;
	[tilespmem:$0x1CB20] =	vst v63  }
0x82: {  	_ =	swait.ge [sflag:s5], $0x4000  }
0x83: {  	[sflag:s5] =	ssyncset.done $0x0  }
0x84: {  	s21 =	sadd.s32 $0x3800, s16;
	s14 =	sadd.s32 $0x200, s14;
	[sflag:s5] =	ssyncadd.s32 $0xFFFFC000  }
0x85: {  	[hbm4b:s21+s3] =	stream.linear.scatter [tilespmem:s0], [sflag:$0x8], $0x4000, $0x38;
	[tilespmem:$0x1CB20] =	vst v63  }
0x86: {  	_ =	swait.ge [sflag:s6], $0x4000  }
0x87: {  	[sflag:s6] =	ssyncset.done $0x0  }
0x88: {  	[sflag:s6] =	ssyncadd.s32 $0xFFFFC000  }
0x89: {  	[tilespmem:s26], [sflag:$0x2] =	stream.indirect.gather [spmem:s2], $0x80, s9, s24, $0xb8;
	[tilespmem:$0x1CB20] =	vst v63  }
0x8a: {  	_ =	swait.ge [sflag:s28], $0x4000  }
0x8b: {  	[sflag:s28] =	ssyncset.done $0x0  }
0x8c: {  	s13 =	simm.s32 $0x0;
	s14 =	rddreg [dreg:$0x9];
	[sflag:s28] =	ssyncadd.s32 $0xFFFFC000  }
0x8d: {  	[hbm4b:s14+s13] =	stream.linear.scatter [tilespmem:s25], [sflag:$0x5], $0x4000, $0x38;
	[tilespmem:$0x1CB20] =	vst v63  }
0x8e: {  	_ =	swait.ge [sflag:s7], $0x4000  }
0x8f: {  	[sflag:s7] =	ssyncset.done $0x0  }
0x90: {  	[sflag:s7] =	ssyncadd.s32 $0xFFFFC000  }
0x91: {  	[tilespmem:s30], [sflag:$0x3] =	stream.indirect.gather [spmem:s2], $0x80, s10, s24, $0xb8;
	[tilespmem:$0x1CB20] =	vst v63  }
0x92: {  	_ =	swait.ge [sflag:s31], $0x4000  }
0x93: {  	[sflag:s31] =	ssyncset.done $0x0  }
0x94: {  	s21 =	rddreg [dreg:$0xa];
	[sflag:s31] =	ssyncadd.s32 $0xFFFFC000  }
0x95: {  	[hbm4b:s21+s13] =	stream.linear.scatter [tilespmem:s26], [sflag:$0x6], $0x4000, $0x38;
	[tilespmem:$0x1CB20] =	vst v63  }
0x96: {  	_ =	swait.ge [sflag:s8], $0x4000  }
0x97: {  	[sflag:s8] =	ssyncset.done $0x0  }
0x98: {  	[sflag:s8] =	ssyncadd.s32 $0xFFFFC000  }
0x99: {  	[tilespmem:s0], [sflag:$0x4] =	stream.indirect.gather [spmem:s2], $0x80, s11, s24, $0xb8;
	[tilespmem:$0x1CB20] =	vst v63  }
0x9a: {  	_ =	swait.ge [sflag:s29], $0x4000  }
0x9b: {  	[sflag:s29] =	ssyncset.done $0x0  }
0x9c: {  	s16 =	rddreg [dreg:$0xb];
	[sflag:s29] =	ssyncadd.s32 $0xFFFFC000  }
0x9d: {  	[hbm4b:s16+s13] =	stream.linear.scatter [tilespmem:s30], [sflag:$0x7], $0x4000, $0x38;
	[tilespmem:$0x1CB20] =	vst v63  }
0x9e: {  	_ =	swait.ge [sflag:s1], $0x4000  }
0x9f: {  	[sflag:s1] =	ssyncset.done $0x0  }
0xa0: {  	[sflag:s1] =	ssyncadd.s32 $0xFFFFC000  }
0xa1: {  	_ =	swait.ge [sflag:s5], $0x4000  }
0xa2: {  	[sflag:s5] =	ssyncset.done $0x0  }
0xa3: {  	s17 =	rddreg [dreg:$0xc];
	[sflag:s5] =	ssyncadd.s32 $0xFFFFC000  }
0xa4: {  	[hbm4b:s17+s13] =	stream.linear.scatter [tilespmem:s0], [sflag:$0x8], $0x4000, $0x38;
	[tilespmem:$0x1CB20] =	vst v63  }
0xa5: {  	s21 =	rddreg [dreg:$0xd]  }
0xa6: {  	[tilespmem:s13], [sflag:$0x9] =	stream.linear.gather [hbm4b:s21+s13], $0xC800, $0x38;
	[tilespmem:$0x1CB20] =	vst v63  }
0xa7: {  	_ =	swait.ge [sflag:s23], $0xC800  }
0xa8: {  	[sflag:s23] =	ssyncset.done $0x0  }
0xa9: {  	[sflag:s23] =	ssyncadd.s32 $0xFFFF3800  }
0xaa: {  	[tilespmem:s25], [sflag:$0x1] =	stream.indirect.gather [spmem:s2], $0x80, s13, s24, $0xb8;
	[tilespmem:$0x1CB20] =	vst v63  }
0xab: {  	_ =	swait.ge [sflag:s6], $0x4000  }
0xac: {  	[sflag:s6] =	ssyncset.done $0x0  }
0xad: {  	s16 =	simm.s32 $0x80;
	[sflag:s6] =	ssyncadd.s32 $0xFFFFC000  }
0xae: {  	[tilespmem:s26], [sflag:$0x2] =	stream.indirect.gather [spmem:s2], $0x80, s16, s24, $0xb8;
	[tilespmem:$0x1CB20] =	vst v63  }
0xaf: {  	_ =	swait.ge [sflag:s28], $0x4000  }
0xb0: {  	[sflag:s28] =	ssyncset.done $0x0  }
0xb1: {  	s17 =	sadd.s32 $0xFFFFE800, s15;
	[sflag:s28] =	ssyncadd.s32 $0xFFFFC000  }
0xb2: {  	[hbm4b:s17+s3] =	stream.linear.scatter [tilespmem:s25], [sflag:$0x5], $0x4000, $0x38;
	[tilespmem:$0x1CB20] =	vst v63  }
0xb3: {  	_ =	swait.ge [sflag:s7], $0x4000  }
0xb4: {  	[sflag:s7] =	ssyncset.done $0x0  }
0xb5: {  	s21 =	simm.s32 $0x100;
	[sflag:s7] =	ssyncadd.s32 $0xFFFFC000  }
0xb6: {  	[tilespmem:s30], [sflag:$0x3] =	stream.indirect.gather [spmem:s2], $0x80, s21, s24, $0xb8;
	[tilespmem:$0x1CB20] =	vst v63  }
0xb7: {  	_ =	swait.ge [sflag:s31], $0x4000  }
0xb8: {  	[sflag:s31] =	ssyncset.done $0x0  }
0xb9: {  	s14 =	sadd.s32 $0xFFFFF000, s15;
	[sflag:s31] =	ssyncadd.s32 $0xFFFFC000  }
0xba: {  	[hbm4b:s14+s3] =	stream.linear.scatter [tilespmem:s26], [sflag:$0x6], $0x4000, $0x38;
	[tilespmem:$0x1CB20] =	vst v63  }
0xbb: {  	_ =	swait.ge [sflag:s8], $0x4000  }
0xbc: {  	[sflag:s8] =	ssyncset.done $0x0  }
0xbd: {  	s16 =	simm.s32 $0x180;
	[sflag:s8] =	ssyncadd.s32 $0xFFFFC000  }
0xbe: {  	[tilespmem:s0], [sflag:$0x4] =	stream.indirect.gather [spmem:s2], $0x80, s16, s24, $0xb8;
	[tilespmem:$0x1CB20] =	vst v63  }
0xbf: {  	_ =	swait.ge [sflag:s29], $0x4000  }
0xc0: {  	[sflag:s29] =	ssyncset.done $0x0  }
0xc1: {  	s17 =	sadd.s32 $0xFFFFF800, s15;
	[sflag:s29] =	ssyncadd.s32 $0xFFFFC000  }
0xc2: {  	[hbm4b:s17+s3] =	stream.linear.scatter [tilespmem:s30], [sflag:$0x7], $0x4000, $0x38;
	[tilespmem:$0x1CB20] =	vst v63  }
0xc3: {  	_ =	swait.ge [sflag:s1], $0x4000  }
0xc4: {  	[sflag:s1] =	ssyncset.done $0x0  }
0xc5: {  	s21 =	simm.s32 $0x200;
	[sflag:s1] =	ssyncadd.s32 $0xFFFFC000  }
0xc6: {  	[tilespmem:s25], [sflag:$0x1] =	stream.indirect.gather [spmem:s2], $0x80, s21, s24, $0xb8;
	[tilespmem:$0x1CB20] =	vst v63  }
0xc7: {  	_ =	swait.ge [sflag:s5], $0x4000  }
0xc8: {  	s13 =	simm.s32 $0x800;
	[sflag:s5] =	ssyncset.done $0x0  }
0xc9: {  	s14 =	sadd.s32 $0x2000, s15;
	s21 =	smov.u32 s15;
	[sflag:s5] =	ssyncadd.s32 $0xFFFFC000  }
.LBB2_4:
0xca: {  	[hbm4b:s21+s3] =	stream.linear.scatter [tilespmem:s0], [sflag:$0x8], $0x4000, $0x38;
	[tilespmem:$0x1CB20] =	vst v63  }
0xcb: {  	s16 =	smov.u32 s13;
	s21 =	smov.u32 s14  }
0xcc: {  	p1 =	sne.s32 s13, $0x31000;
	s13 =	sadd.s32 $0x800, s13;
	_ =	swait.ge [sflag:s6], $0x4000  }
0xcd: {  	s16 =	sshra.s32 s16, $0x2;
	[sflag:s6] =	ssyncset.done $0x0  }
0xce: {  	s17 =	sadd.s32 $0x80, s16;
	[sflag:s6] =	ssyncadd.s32 $0xFFFFC000  }
0xcf: {  	[tilespmem:s26], [sflag:$0x2] =	stream.indirect.gather [spmem:s2], $0x80, s17, s24, $0xb8;
	[tilespmem:$0x1CB20] =	vst v63  }
0xd0: {  	_ =	swait.ge [sflag:s28], $0x4000  }
0xd1: {  	[sflag:s28] =	ssyncset.done $0x0  }
0xd2: {  	s17 =	sadd.s32 $0xFFFFE800, s14;
	[sflag:s28] =	ssyncadd.s32 $0xFFFFC000  }
0xd3: {  	[hbm4b:s17+s3] =	stream.linear.scatter [tilespmem:s25], [sflag:$0x5], $0x4000, $0x38;
	[tilespmem:$0x1CB20] =	vst v63  }
0xd4: {  	_ =	swait.ge [sflag:s7], $0x4000  }
0xd5: {  	[sflag:s7] =	ssyncset.done $0x0  }
0xd6: {  	s17 =	sadd.s32 $0x100, s16;
	[sflag:s7] =	ssyncadd.s32 $0xFFFFC000  }
0xd7: {  	[tilespmem:s30], [sflag:$0x3] =	stream.indirect.gather [spmem:s2], $0x80, s17, s24, $0xb8;
	[tilespmem:$0x1CB20] =	vst v63  }
0xd8: {  	_ =	swait.ge [sflag:s31], $0x4000  }
0xd9: {  	[sflag:s31] =	ssyncset.done $0x0  }
0xda: {  	s17 =	sadd.s32 $0xFFFFF000, s14;
	[sflag:s31] =	ssyncadd.s32 $0xFFFFC000  }
0xdb: {  	[hbm4b:s17+s3] =	stream.linear.scatter [tilespmem:s26], [sflag:$0x6], $0x4000, $0x38;
	[tilespmem:$0x1CB20] =	vst v63  }
0xdc: {  	_ =	swait.ge [sflag:s8], $0x4000  }
0xdd: {  	[sflag:s8] =	ssyncset.done $0x0  }
0xde: {  	s17 =	sadd.s32 $0x180, s16;
	[sflag:s8] =	ssyncadd.s32 $0xFFFFC000  }
0xdf: {  	[tilespmem:s0], [sflag:$0x4] =	stream.indirect.gather [spmem:s2], $0x80, s17, s24, $0xb8;
	[tilespmem:$0x1CB20] =	vst v63  }
0xe0: {  	_ =	swait.ge [sflag:s29], $0x4000  }
0xe1: {  	[sflag:s29] =	ssyncset.done $0x0  }
0xe2: {  	s17 =	sadd.s32 $0xFFFFF800, s14;
	[sflag:s29] =	ssyncadd.s32 $0xFFFFC000  }
0xe3: {  	[hbm4b:s17+s3] =	stream.linear.scatter [tilespmem:s30], [sflag:$0x7], $0x4000, $0x38;
	[tilespmem:$0x1CB20] =	vst v63  }
0xe4: {  	_ =	swait.ge [sflag:s1], $0x4000  }
0xe5: {  	[sflag:s1] =	ssyncset.done $0x0  }
.Ltmp1:
0xe6: {  	s16 =	sadd.s32 $0x200, s16;
	[sflag:s1] =	ssyncadd.s32 $0xFFFFC000;
	(pc) =	sbr.rel @p1 .LBB2_4-.Ltmp1, $4  }
0xe7: {  	[tilespmem:s25], [sflag:$0x1] =	stream.indirect.gather [spmem:s2], $0x80, s16, s24, $0xb8;
	[tilespmem:$0x1CB20] =	vst v63  }
0xe8: {  	_ =	swait.ge [sflag:s5], $0x4000  }
0xe9: {  	[sflag:s5] =	ssyncset.done $0x0  }
0xea: {  	s14 =	sadd.s32 $0x2000, s14;
	[sflag:s5] =	ssyncadd.s32 $0xFFFFC000  }
0xeb: {  	[hbm4b:s21+s3] =	stream.linear.scatter [tilespmem:s0], [sflag:$0x8], $0x4000, $0x38;
	[tilespmem:$0x1CB20] =	vst v63  }
0xec: {  	_ =	swait.ge [sflag:s6], $0x4000  }
0xed: {  	[sflag:s6] =	ssyncset.done $0x0  }
0xee: {  	[sflag:s6] =	ssyncadd.s32 $0xFFFFC000  }
0xef: {  	[tilespmem:s26], [sflag:$0x2] =	stream.indirect.gather [spmem:s2], $0x80, s9, s24, $0xb8;
	[tilespmem:$0x1CB20] =	vst v63  }
0xf0: {  	_ =	swait.ge [sflag:s28], $0x4000  }
0xf1: {  	[sflag:s28] =	ssyncset.done $0x0  }
0xf2: {  	s13 =	rddreg [dreg:$0xe];
	[sflag:s28] =	ssyncadd.s32 $0xFFFFC000  }
0xf3: {  	[hbm4b:s13+s3] =	stream.linear.scatter [tilespmem:s25], [sflag:$0x5], $0x4000, $0x38;
	[tilespmem:$0x1CB20] =	vst v63  }
0xf4: {  	_ =	swait.ge [sflag:s7], $0x4000  }
0xf5: {  	[sflag:s7] =	ssyncset.done $0x0  }
0xf6: {  	[sflag:s7] =	ssyncadd.s32 $0xFFFFC000  }
0xf7: {  	[tilespmem:s30], [sflag:$0x3] =	stream.indirect.gather [spmem:s2], $0x80, s10, s24, $0xb8;
	[tilespmem:$0x1CB20] =	vst v63  }
0xf8: {  	_ =	swait.ge [sflag:s31], $0x4000  }
0xf9: {  	[sflag:s31] =	ssyncset.done $0x0  }
0xfa: {  	s16 =	rddreg [dreg:$0xf];
	[sflag:s31] =	ssyncadd.s32 $0xFFFFC000  }
0xfb: {  	[hbm4b:s16+s3] =	stream.linear.scatter [tilespmem:s26], [sflag:$0x6], $0x4000, $0x38;
	[tilespmem:$0x1CB20] =	vst v63  }
0xfc: {  	_ =	swait.ge [sflag:s8], $0x4000  }
0xfd: {  	[sflag:s8] =	ssyncset.done $0x0  }
0xfe: {  	[sflag:s8] =	ssyncadd.s32 $0xFFFFC000  }
0xff: {  	[tilespmem:s0], [sflag:$0x4] =	stream.indirect.gather [spmem:s2], $0x80, s11, s24, $0xb8;
	[tilespmem:$0x1CB20] =	vst v63  }
0x100: {  	_ =	swait.ge [sflag:s29], $0x4000  }
0x101: {  	[sflag:s29] =	ssyncset.done $0x0  }
0x102: {  	s17 =	rddreg [dreg:$0x10];
	[sflag:s29] =	ssyncadd.s32 $0xFFFFC000  }
0x103: {  	[hbm4b:s17+s3] =	stream.linear.scatter [tilespmem:s30], [sflag:$0x7], $0x4000, $0x38;
	[tilespmem:$0x1CB20] =	vst v63  }
0x104: {  	_ =	swait.ge [sflag:s1], $0x4000  }
0x105: {  	[sflag:s1] =	ssyncset.done $0x0  }
0x106: {  	[sflag:s1] =	ssyncadd.s32 $0xFFFFC000  }
0x107: {  	_ =	swait.ge [sflag:s5], $0x4000  }
0x108: {  	[sflag:s5] =	ssyncset.done $0x0  }
0x109: {  	s21 =	rddreg [dreg:$0x11];
	[sflag:s5] =	ssyncadd.s32 $0xFFFFC000  }
0x10a: {  	[hbm4b:s21+s3] =	stream.linear.scatter [tilespmem:s0], [sflag:$0x8], $0x4000, $0x38;
	[tilespmem:$0x1CB20] =	vst v63  }
0x10b: {  	_ =	swait.ge [sflag:s6], $0x4000  }
0x10c: {  	[sflag:s6] =	ssyncset.done $0x0  }
0x10d: {  	s12 =	sadd.s32 $0x1, s12;
	[sflag:s6] =	ssyncadd.s32 $0xFFFFC000  }
0x10e: {  	p1 =	sne.s32 s12, s18;
	_ =	swait.ge [sflag:s7], $0x4000  }
.Ltmp2:
0x10f: {  	[sflag:s7] =	ssyncset.done $0x0;
	(pc) =	sbr.rel @p1 .LBB2_1-.Ltmp2, $4  }
0x110: {  	[sflag:s7] =	ssyncadd.s32 $0xFFFFC000  }
0x111: {  	_ =	swait.ge [sflag:s8], $0x4000  }
0x112: {  	[sflag:s8] =	ssyncset.done $0x0  }
0x113: {  	[sflag:s8] =	ssyncadd.s32 $0xFFFFC000  }
0x114: {  	_ =	sfence.sel $0x180000  }
0x115: {  	[bflag:$0x0] =	sbarrier.arrive $0xFFFF  }
0x116: {  	_ =	strace $0x90000047  }
0x117: {  	[bflag:$0x2] =	sbarrier.arrive $0xFFFF  }
0x118: {  	s0 =	rddreg [dreg:$0x4]  }
0x119: {  	s0 =	sadd.s32 @!p0 $0x100000, s0  }
0x11a: {  	[sflag:s0] =	ssyncadd.tile.s32 @!p0 $0x1;
	_ =	shalt  }
.Lfunc_end2:
_tile_overlayer_lowered:
.L_overlay_start_2:
0x11b: {  	(tag) =	ssettag $0x2  }
0x11c: {  	s0 =	rddreg [dreg:$0x0];
	s2 =	stileid.u32  }
0x11d: {  	s1 =	rddreg [dreg:$0x1];
	p0 =	sne.s32 s2, $0x0  }
0x11e: {  	s3 =	rddreg [dreg:$0x2];
	[bflag:$0x3] =	sbarrier.arrive $0xFFFF;
	s2 =	simm.s32 @!p0 $0x1C09  }
0x11f: {  	[timem:s3], [sflag:s2] =	dma.local @!p0 [hbm:s0], s1  }
0x120: {  	s0 =	simm.s32 @!p0 $0x9  }
0x121: {  	_ =	swait.ge @!p0 [sflag:s0], s1  }
0x122: {  	s1 =	ssub.s32 @!p0 $0x0, s1;
	[sflag:s0] =	ssyncset.done @!p0 $0x0  }
0x123: {  	[sflag:s0] =	ssyncadd.s32 @!p0 s1  }
0x124: {  	[bflag:$0x3] =	sbarrier.arrive $0xFFFF  }
0x125: {  	_ =	shalt  }

</sc_bundles>
